<compile_context>
chip_gen: v7x
topology: tpu7x:2x2x1
jax: 0.10.2.dev20260603
libtpu: 0.0.44.dev20260713+nightly
codegen_flags: <defaults>
</compile_context>

<pallas_src>
import functools

import jax
import jax.numpy as jnp
from jax import lax
from jax.experimental import pallas as pl
from jax.experimental.pallas import tpu as pltpu
from jax.experimental.pallas import tpu_sc as plsc

NW = 32
B = 128


def _tc_h0(x, W1, NP, BN):
    N, F = x.shape
    H = W1.shape[1]

    def body(x_ref, w_ref, o_ref):
        o_ref[...] = jnp.dot(x_ref[...], w_ref[...],
                             preferred_element_type=jnp.float32)

    return pl.pallas_call(
        body,
        grid=(N // BN,),
        in_specs=[pl.BlockSpec((BN, F), lambda i: (i, 0)),
                  pl.BlockSpec((F, H), lambda i: (0, 0))],
        out_specs=pl.BlockSpec((BN, H), lambda i: (i, 0)),
        out_shape=jax.ShapeDtypeStruct((NP, H), jnp.float32),
    )(x, W1)


def _sc_deg(dst2, z1, ones, NP):
    R = dst2.shape[0] // NW
    NS = NP // 16
    mesh = plsc.VectorSubcoreMesh(core_axis_name="c", subcore_axis_name="s")

    @functools.partial(
        pl.kernel,
        out_type=jax.ShapeDtypeStruct((2 * NP,), jnp.float32),
        mesh=mesh,
        scratch_types=[
            pltpu.VMEM((R, B), jnp.int32),
            pltpu.VMEM((B,), jnp.float32),
            pltpu.VMEM_SHARED((NP,), jnp.float32),
        ],
        compiler_params=pltpu.CompilerParams(use_tc_tiling_on_sc=False),
    )
    def k(dst_hbm, z1_hbm, ones_hbm, deg_hbm, idx_v, ones_v, deg_sp):
        c = lax.axis_index("c")
        s = lax.axis_index("s")
        w = s * 2 + c
        lo = s * NS
        pltpu.sync_copy(z1_hbm.at[pl.ds(lo, NS)], deg_sp.at[pl.ds(lo, NS)])
        pltpu.sync_copy(ones_hbm, ones_v)
        pltpu.sync_copy(dst_hbm.at[pl.ds(w * R, R)], idx_v)
        plsc.subcore_barrier()

        @pl.loop(0, R)
        def _(j):
            pltpu.sync_copy(ones_v, deg_sp.at[idx_v.at[j]], add=True)

        plsc.subcore_barrier()
        pltpu.sync_copy(deg_sp.at[pl.ds(lo, NS)],
                        deg_hbm.at[pl.ds(c * NP + lo, NS)])

    return k(dst2, z1, ones)


def _tc_dinv_g0(deg2, h0, N, NP, BN):
    H = h0.shape[1]

    def body(d_ref, h_ref, dinv_ref, g0_ref):
        deg = d_ref[0] + d_ref[1] + 1.0
        dinv = lax.rsqrt(deg)
        dinv_ref[...] = dinv
        g0_ref[...] = h_ref[...] * dinv

    return pl.pallas_call(
        body,
        grid=(N // BN,),
        in_specs=[pl.BlockSpec((2, BN, 1), lambda i: (0, i, 0)),
                  pl.BlockSpec((BN, H), lambda i: (i, 0))],
        out_specs=[pl.BlockSpec((BN, 1), lambda i: (i, 0)),
                   pl.BlockSpec((BN, H), lambda i: (i, 0))],
        out_shape=[jax.ShapeDtypeStruct((NP, 1), jnp.float32),
                   jax.ShapeDtypeStruct((NP, H), jnp.float32)],
    )(deg2.reshape(2, NP, 1), h0)


NBUF = 4
CCH = 16


def _sc_agg(src2, dst2, g0, dinv, z1, z2, NP):
    R = src2.shape[0] // NW
    H = g0.shape[1]
    NS = NP // 16
    C = CCH
    NC = R // C
    assert R % C == 0 and C % NBUF == 0
    mesh = plsc.VectorSubcoreMesh(core_axis_name="c", subcore_axis_name="s")

    @functools.partial(
        pl.kernel,
        out_type=(jax.ShapeDtypeStruct((2 * NP, H), jnp.float32),
                  jax.ShapeDtypeStruct((2 * NP,), jnp.float32)),
        mesh=mesh,
        scratch_types=[
            pltpu.VMEM((2 * C, B), jnp.int32),
            pltpu.VMEM((2 * C, B), jnp.int32),
            pltpu.VMEM((NBUF, B, H), jnp.float32),
            pltpu.VMEM((NBUF, B), jnp.float32),
            pltpu.VMEM_SHARED((NP, H), jnp.float32),
            pltpu.VMEM_SHARED((NP,), jnp.float32),
            pltpu.VMEM_SHARED((NP,), jnp.float32),
        ] + [pltpu.SemaphoreType.DMA] * (2 * NBUF + 2),
        compiler_params=pltpu.CompilerParams(use_tc_tiling_on_sc=False),
    )
    def k(src_hbm, dst_hbm, g0_hbm, dinv_hbm, z1_hbm, z2_hbm,
          acc_out, t_out, sidx, didx, rows, dvals,
          acc_sp, t_sp, dinv_sp, *sems):
        gsem = sems[:NBUF]
        dsem = sems[NBUF:2 * NBUF]
        isem_s, isem_d = sems[2 * NBUF], sems[2 * NBUF + 1]
        c = lax.axis_index("c")
        s = lax.axis_index("s")
        w = s * 2 + c
        lo = s * NS
        pltpu.sync_copy(z2_hbm.at[pl.ds(lo, NS)], acc_sp.at[pl.ds(lo, NS)])
        pltpu.sync_copy(z1_hbm.at[pl.ds(lo, NS)], t_sp.at[pl.ds(lo, NS)])
        pltpu.sync_copy(dinv_hbm.at[pl.ds(lo, NS)], dinv_sp.at[pl.ds(lo, NS)])
        plsc.subcore_barrier()

        pltpu.async_copy(src_hbm.at[pl.ds(w * R, C)],
                         sidx.at[pl.ds(0, C)], isem_s)
        pltpu.async_copy(dst_hbm.at[pl.ds(w * R, C)],
                         didx.at[pl.ds(0, C)], isem_d)

        @pl.loop(0, NC)
        def _(o):
            base = lax.rem(o, 2) * C
            nbase = C - base
            pltpu.make_async_copy(src_hbm.at[pl.ds(0, C)],
                                  sidx.at[pl.ds(base, C)], isem_s).wait()
            pltpu.make_async_copy(dst_hbm.at[pl.ds(0, C)],
                                  didx.at[pl.ds(base, C)], isem_d).wait()

            @pl.when(o < NC - 1)
            def _():
                pltpu.async_copy(src_hbm.at[pl.ds(w * R + (o + 1) * C, C)],
                                 sidx.at[pl.ds(nbase, C)], isem_s)
                pltpu.async_copy(dst_hbm.at[pl.ds(w * R + (o + 1) * C, C)],
                                 didx.at[pl.ds(nbase, C)], isem_d)

            @pl.loop(0, C, step=NBUF)
            def _(g):
                gh, dh = [], []
                for b in range(NBUF):
                    j = base + g + b
                    gh.append(pltpu.async_copy(
                        g0_hbm.at[sidx.at[j]], rows.at[b], gsem[b]))
                    dh.append(pltpu.async_copy(
                        dinv_sp.at[didx.at[j]], dvals.at[b], dsem[b]))
                for b in range(NBUF):
                    j = base + g + b
                    gh[b].wait()
                    pltpu.sync_copy(rows.at[b], acc_sp.at[didx.at[j]],
                                    add=True)
                    dh[b].wait()
                    pltpu.sync_copy(dvals.at[b], t_sp.at[sidx.at[j]],
                                    add=True)

        plsc.subcore_barrier()
        pltpu.sync_copy(acc_sp.at[pl.ds(lo, NS)],
                        acc_out.at[pl.ds(c * NP + lo, NS)])
        pltpu.sync_copy(t_sp.at[pl.ds(lo, NS)],
                        t_out.at[pl.ds(c * NP + lo, NS)])

    return k(src2, dst2, g0, dinv, z1, z2)


def _tc_final(acc2, t2, dinv, g0, b1, W2, b2, N, NP, BN):
    H = g0.shape[1]
    M = W2.shape[1]
    nblk = N // BN

    def body(a_ref, t_ref, dv_ref, g0_ref, b1_ref, w2_ref, b2_ref,
             o_ref, pool_ref):
        i = pl.program_id(0)
        accs = a_ref[0] + a_ref[1]
        ts = t_ref[0] + t_ref[1]
        dv = dv_ref[...]
        h1 = jnp.maximum(dv * (accs + g0_ref[...]) + b1_ref[...], 0.0)
        cvec = dv * (ts + dv)
        part = jnp.sum(cvec * h1, axis=0, keepdims=True)

        @pl.when(i == 0)
        def _():
            pool_ref[...] = jnp.zeros_like(pool_ref)

        pool_ref[...] += part

        @pl.when(i == nblk - 1)
        def _():
            o_ref[...] = jnp.dot(pool_ref[...] * (1.0 / N), w2_ref[...],
                                 preferred_element_type=jnp.float32) \
                         + b2_ref[...]

    return pl.pallas_call(
        body,
        grid=(nblk,),
        in_specs=[pl.BlockSpec((2, BN, H), lambda i: (0, i, 0)),
                  pl.BlockSpec((2, BN, 1), lambda i: (0, i, 0)),
                  pl.BlockSpec((BN, 1), lambda i: (i, 0)),
                  pl.BlockSpec((BN, H), lambda i: (i, 0)),
                  pl.BlockSpec((1, H), lambda i: (0, 0)),
                  pl.BlockSpec((H, M), lambda i: (0, 0)),
                  pl.BlockSpec((1, M), lambda i: (0, 0))],
        out_specs=pl.BlockSpec((1, M), lambda i: (0, 0)),
        out_shape=jax.ShapeDtypeStruct((1, M), jnp.float32),
        scratch_shapes=[pltpu.VMEM((1, H), jnp.float32)],
    )(acc2.reshape(2, NP, H), t2.reshape(2, NP, 1), dinv, g0,
      b1.reshape(1, H), W2, b2.reshape(1, M))


def kernel(x, edge_index, W1, b1, W2, b2):
    N, F = x.shape
    H = W1.shape[1]
    E = edge_index.shape[1]

    NP = ((N + 127) // 128) * 128
    R = -(-E // (NW * B))
    R = ((R + CCH - 1) // CCH) * CCH
    EP = NW * R * B
    pad = EP - E

    padidx = N + (jnp.arange(pad, dtype=jnp.int32) % 16)
    src2 = jnp.concatenate([edge_index[0], padidx]).reshape(NW * R, B)
    dst2 = jnp.concatenate([edge_index[1], padidx]).reshape(NW * R, B)

    z1 = jnp.zeros((NP,), jnp.float32)
    z2 = jnp.zeros((NP, H), jnp.float32)
    ones = jnp.ones((B,), jnp.float32)

    h0 = _tc_h0(x, W1, NP, 1000)
    deg2 = _sc_deg(dst2, z1, ones, NP)
    dinv, g0 = _tc_dinv_g0(deg2, h0, N, NP, 1000)
    acc2, t2 = _sc_agg(src2, dst2, g0, dinv.reshape(NP), z1, z2, NP)
    return _tc_final(acc2, t2, dinv, g0, b1, W2, b2, N, NP, 1000)

# --- scband reference (transcript-rebuilt; emitter-appended) ---
"""Pipeline reference for scband-pathway-encoder-25864293057120 (READ-ONLY COPY).

The authoritative reference and input builder live on the scoring server;
editing this copy changes nothing except your own understanding.
"""

import jax, jax.numpy as jnp
import numpy as np

N = 100000
E = 1600000
IN_FEATS = 128
HID = 16
EMBED = 32


def _glorot(key, shape):
    limit = np.sqrt(6.0 / (shape[0] + shape[1]))
    return jax.random.uniform(key, shape, dtype=jnp.float32, minval=-limit, maxval=limit)


def setup_inputs(seed: int = 0) -> dict:
    key = jax.random.key(seed)
    k1, k2, k3, k4 = jax.random.split(key, 4)
    x = jax.random.normal(k1, (N, IN_FEATS), dtype=jnp.float32)
    edge_index = jax.random.randint(k2, (2, E), 0, N, dtype=jnp.int32)
    W1 = _glorot(k3, (IN_FEATS, HID))
    b1 = jnp.zeros((HID,), dtype=jnp.float32)
    W2 = _glorot(k4, (HID, EMBED))
    b2 = jnp.zeros((EMBED,), dtype=jnp.float32)
    return {"x": x, "edge_index": edge_index, "W1": W1, "b1": b1, "W2": W2, "b2": b2}


def _gcn_layer(x, edge_index, W, b):
    # Faithful GCNConv: add self-loops, symmetric normalization, scatter-add aggregation
    n = x.shape[0]
    loop = jnp.arange(n, dtype=edge_index.dtype)
    src = jnp.concatenate([edge_index[0], loop])
    dst = jnp.concatenate([edge_index[1], loop])
    h = x @ W
    deg = jax.ops.segment_sum(jnp.ones(src.shape[0], dtype=h.dtype), dst, num_segments=n)
    dinv = jnp.where(deg > 0, 1.0 / jnp.sqrt(deg), 0.0)
    norm = dinv[src] * dinv[dst]
    msg = h[src] * norm[:, None]
    out = jax.ops.segment_sum(msg, dst, num_segments=n)
    return out + b


def reference(x, edge_index, W1, b1, W2, b2):
    h = _gcn_layer(x, edge_index, W1, b1)
    h = jax.nn.relu(h)
    h = _gcn_layer(h, edge_index, W2, b2)
    # global_mean_pool with batch = zeros -> mean over all nodes -> [1, EMBED]
    return jnp.mean(h, axis=0, keepdims=True)

if __name__ == "__main__":
    import jax
    _d = setup_inputs()
    print(jax.jit(kernel)(*tuple(_d.values())))

</pallas_src>

<mosaic_0001>
#map = affine_map<(d0, d1) -> (0, 0)>
#map1 = affine_map<(d0, d1) -> (0)>
module attributes {stable_mosaic.version = 14 : i64} {
  func.func @k(%arg0: i32, %arg1: i32, %arg2: memref<12800x128xi32, #tpu.memory_space<hbm>>, %arg3: memref<100096xf32, #tpu.memory_space<hbm>>, %arg4: memref<128xf32, #tpu.memory_space<hbm>>, %arg5: memref<200192xf32, #tpu.memory_space<hbm>>, %arg6: memref<400x128xi32, #tpu.memory_space<vmem>>, %arg7: memref<128xf32, #tpu.memory_space<vmem>>, %arg8: memref<100096xf32, #tpu.memory_space<vmem_shared>>) attributes {dimension_semantics = [#tpu.dimension_semantics<core_parallel>, #tpu.dimension_semantics<subcore_parallel>], iteration_bounds = array<i64: 2, 16>, scalar_prefetch = 0 : i64, scratch_operands = 3 : i64, tpu.core_type = #tpu.core_type<sc_vector_subcore>, window_params = [{transform_indices = #map}, {transform_indices = #map1}, {transform_indices = #map1}, {transform_indices = #map1}]} {
    %mul3A = arith.constant 2 : i32
    %mul3A_0 = arith.muli %arg1, %mul3A : i32
    %add3A = arith.addi %mul3A_0, %arg0 : i32
    %mul3A_1 = arith.constant 6256 : i32
    %mul3A_2 = arith.muli %arg1, %mul3A_1 : i32
    "tpu.region"() ({
      %run_scoped3A = tpu.sem_alloc : memref<!tpu.dma_semaphore, #tpu.memory_space<semaphore_mem>>
      %dma_start3A = tpu.memref_slice %arg8[%mul3A_2] : memref<100096xf32, #tpu.memory_space<vmem_shared>> -> memref<6256xf32, #tpu.memory_space<vmem_shared>>
      %dma_start3A_13 = tpu.memref_slice %arg3[%mul3A_2] : memref<100096xf32, #tpu.memory_space<hbm>> -> memref<6256xf32, #tpu.memory_space<hbm>>
      tpu.enqueue_dma source(%dma_start3A_13 : memref<6256xf32, #tpu.memory_space<hbm>>) target(%dma_start3A : memref<6256xf32, #tpu.memory_space<vmem_shared>>) target_semaphore(%run_scoped3A : memref<!tpu.dma_semaphore, #tpu.memory_space<semaphore_mem>>)
      %dma_wait3A = tpu.memref_slice %arg8[%mul3A_2] : memref<100096xf32, #tpu.memory_space<vmem_shared>> -> memref<6256xf32, #tpu.memory_space<vmem_shared>>
      %dma_wait3A_14 = tpu.memref_slice %arg3[%mul3A_2] : memref<100096xf32, #tpu.memory_space<hbm>> -> memref<6256xf32, #tpu.memory_space<hbm>>
      tpu.wait_dma2 semaphore(%run_scoped3A : memref<!tpu.dma_semaphore, #tpu.memory_space<semaphore_mem>>) src(%dma_wait3A_14 : memref<6256xf32, #tpu.memory_space<hbm>>) dst(%dma_wait3A : memref<6256xf32, #tpu.memory_space<vmem_shared>>)
      tpu.yield
    }) : () -> ()
    "tpu.region"() ({
      %run_scoped3A = tpu.sem_alloc : memref<!tpu.dma_semaphore, #tpu.memory_space<semaphore_mem>>
      tpu.enqueue_dma source(%arg4 : memref<128xf32, #tpu.memory_space<hbm>>) target(%arg7 : memref<128xf32, #tpu.memory_space<vmem>>) target_semaphore(%run_scoped3A : memref<!tpu.dma_semaphore, #tpu.memory_space<semaphore_mem>>)
      tpu.wait_dma2 semaphore(%run_scoped3A : memref<!tpu.dma_semaphore, #tpu.memory_space<semaphore_mem>>) src(%arg4 : memref<128xf32, #tpu.memory_space<hbm>>) dst(%arg7 : memref<128xf32, #tpu.memory_space<vmem>>)
      tpu.yield
    }) : () -> ()
    %mul3A_3 = arith.constant 400 : i32
    %mul3A_4 = arith.muli %add3A, %mul3A_3 : i32
    "tpu.region"() ({
      %run_scoped3A = tpu.sem_alloc : memref<!tpu.dma_semaphore, #tpu.memory_space<semaphore_mem>>
      %dma_start3A = arith.constant 0 : i32
      %dma_start3A_13 = tpu.memref_slice %arg2[%mul3A_4, %dma_start3A] : memref<12800x128xi32, #tpu.memory_space<hbm>> -> memref<400x128xi32, #tpu.memory_space<hbm>>
      %dma_start3A_14 = arith.constant 0 : i32
      %dma_start3A_15 = tpu.memref_slice %arg2[%mul3A_4, %dma_start3A_14] : memref<12800x128xi32, #tpu.memory_space<hbm>> -> memref<400x128xi32, #tpu.memory_space<hbm>>
      tpu.enqueue_dma source(%dma_start3A_15 : memref<400x128xi32, #tpu.memory_space<hbm>>) target(%arg6 : memref<400x128xi32, #tpu.memory_space<vmem>>) target_semaphore(%run_scoped3A : memref<!tpu.dma_semaphore, #tpu.memory_space<semaphore_mem>>)
      %dma_wait3A = arith.constant 0 : i32
      %dma_wait3A_16 = tpu.memref_slice %arg2[%mul3A_4, %dma_wait3A] : memref<12800x128xi32, #tpu.memory_space<hbm>> -> memref<400x128xi32, #tpu.memory_space<hbm>>
      %dma_wait3A_17 = arith.constant 0 : i32
      %dma_wait3A_18 = tpu.memref_slice %arg2[%mul3A_4, %dma_wait3A_17] : memref<12800x128xi32, #tpu.memory_space<hbm>> -> memref<400x128xi32, #tpu.memory_space<hbm>>
      tpu.wait_dma2 semaphore(%run_scoped3A : memref<!tpu.dma_semaphore, #tpu.memory_space<semaphore_mem>>) src(%dma_wait3A_18 : memref<400x128xi32, #tpu.memory_space<hbm>>) dst(%arg6 : memref<400x128xi32, #tpu.memory_space<vmem>>)
      tpu.yield
    }) : () -> ()
    %barrier3A = arith.constant 0 : index
    tpu.barrier barrier_id(%barrier3A)
    %scan3A = arith.constant 0 : i32
    %scan3A_5 = arith.constant 400 : i32
    %scan3A_6 = arith.addi %scan3A, %scan3A_5 : i32
    %scan3A_7 = arith.constant 1 : i32
    scf.for %scan3A_13 = %scan3A to %scan3A_6 step %scan3A_7  : i32 {
      %mul3A_14 = arith.constant 1 : i32
      %mul3A_15 = arith.muli %scan3A_13, %mul3A_14 : i32
      %add3A_16 = arith.constant 0 : i32
      %add3A_17 = arith.addi %add3A_16, %mul3A_15 : i32
      "tpu.region"() ({
        %run_scoped3A = tpu.sem_alloc : memref<!tpu.dma_semaphore, #tpu.memory_space<semaphore_mem>>
        %dma_start3A = arith.constant 0 : i32
        %dma_start3A_18 = tpu.memref_slice %arg6[%add3A_17, %dma_start3A] : memref<400x128xi32, #tpu.memory_space<vmem>> -> memref<1x128xi32, #tpu.memory_space<vmem>>
        %dma_start3A_19 = tpu.memref_squeeze %dma_start3A_18 : memref<1x128xi32, #tpu.memory_space<vmem>> -> memref<128xi32, #tpu.memory_space<vmem>>
        %dma_start3A_20 = arith.constant 0 : i32
        %dma_start3A_21 = tpu.memref_slice %arg8[%dma_start3A_20] : memref<100096xf32, #tpu.memory_space<vmem_shared>> -> memref<100096xf32, #tpu.memory_space<vmem_shared>>
        tpu.enqueue_indirect_dma source(%arg7 : memref<128xf32, #tpu.memory_space<vmem>>) target(%dma_start3A_21 : memref<100096xf32, #tpu.memory_space<vmem_shared>>) offsets(%dma_start3A_19 : memref<128xi32, #tpu.memory_space<vmem>>) semaphore(%run_scoped3A : memref<!tpu.dma_semaphore, #tpu.memory_space<semaphore_mem>>) {add = true}
        %dma_wait3A = arith.constant 0 : i32
        %dma_wait3A_22 = tpu.memref_slice %arg6[%add3A_17, %dma_wait3A] : memref<400x128xi32, #tpu.memory_space<vmem>> -> memref<1x128xi32, #tpu.memory_space<vmem>>
        %dma_wait3A_23 = tpu.memref_squeeze %dma_wait3A_22 : memref<1x128xi32, #tpu.memory_space<vmem>> -> memref<128xi32, #tpu.memory_space<vmem>>
        %dma_wait3A_24 = arith.constant 0 : i32
        %dma_wait3A_25 = tpu.memref_slice %arg8[%dma_wait3A_24] : memref<100096xf32, #tpu.memory_space<vmem_shared>> -> memref<100096xf32, #tpu.memory_space<vmem_shared>>
        tpu.wait_indirect_dma semaphore(%run_scoped3A : memref<!tpu.dma_semaphore, #tpu.memory_space<semaphore_mem>>) src(%arg7 : memref<128xf32, #tpu.memory_space<vmem>>) dst(%dma_wait3A_25 : memref<100096xf32, #tpu.memory_space<vmem_shared>>)
        tpu.yield
      }) : () -> ()
    }
    %scan3A_8 = arith.constant 400 : i32
    %barrier3A_9 = arith.constant 0 : index
    tpu.barrier barrier_id(%barrier3A_9)
    %mul3A_10 = arith.constant 100096 : i32
    %mul3A_11 = arith.muli %arg0, %mul3A_10 : i32
    %add3A_12 = arith.addi %mul3A_11, %mul3A_2 : i32
    "tpu.region"() ({
      %run_scoped3A = tpu.sem_alloc : memref<!tpu.dma_semaphore, #tpu.memory_space<semaphore_mem>>
      %dma_start3A = tpu.memref_slice %arg5[%add3A_12] : memref<200192xf32, #tpu.memory_space<hbm>> -> memref<6256xf32, #tpu.memory_space<hbm>>
      %dma_start3A_13 = tpu.memref_slice %arg8[%mul3A_2] : memref<100096xf32, #tpu.memory_space<vmem_shared>> -> memref<6256xf32, #tpu.memory_space<vmem_shared>>
      tpu.enqueue_dma source(%dma_start3A_13 : memref<6256xf32, #tpu.memory_space<vmem_shared>>) target(%dma_start3A : memref<6256xf32, #tpu.memory_space<hbm>>) target_semaphore(%run_scoped3A : memref<!tpu.dma_semaphore, #tpu.memory_space<semaphore_mem>>)
      %dma_wait3A = tpu.memref_slice %arg5[%add3A_12] : memref<200192xf32, #tpu.memory_space<hbm>> -> memref<6256xf32, #tpu.memory_space<hbm>>
      %dma_wait3A_14 = tpu.memref_slice %arg8[%mul3A_2] : memref<100096xf32, #tpu.memory_space<vmem_shared>> -> memref<6256xf32, #tpu.memory_space<vmem_shared>>
      tpu.wait_dma2 semaphore(%run_scoped3A : memref<!tpu.dma_semaphore, #tpu.memory_space<semaphore_mem>>) src(%dma_wait3A_14 : memref<6256xf32, #tpu.memory_space<vmem_shared>>) dst(%dma_wait3A : memref<6256xf32, #tpu.memory_space<hbm>>)
      tpu.yield
    }) : () -> ()
    return
  }
}

#map = affine_map<(d0, d1) -> (0, 0)>
#map1 = affine_map<(d0, d1) -> (0)>
module attributes {stable_mosaic.version = 14 : i64} {
  func.func @k(%arg0: i32, %arg1: i32, %arg2: memref<12800x128xi32, #tpu.memory_space<hbm>>, %arg3: memref<12800x128xi32, #tpu.memory_space<hbm>>, %arg4: memref<100096x16xf32, #tpu.memory_space<hbm>>, %arg5: memref<100096xf32, #tpu.memory_space<hbm>>, %arg6: memref<100096xf32, #tpu.memory_space<hbm>>, %arg7: memref<100096x16xf32, #tpu.memory_space<hbm>>, %arg8: memref<200192x16xf32, #tpu.memory_space<hbm>>, %arg9: memref<200192xf32, #tpu.memory_space<hbm>>, %arg10: memref<32x128xi32, #tpu.memory_space<vmem>>, %arg11: memref<32x128xi32, #tpu.memory_space<vmem>>, %arg12: memref<4x128x16xf32, #tpu.memory_space<vmem>>, %arg13: memref<4x128xf32, #tpu.memory_space<vmem>>, %arg14: memref<100096x16xf32, #tpu.memory_space<vmem_shared>>, %arg15: memref<100096xf32, #tpu.memory_space<vmem_shared>>, %arg16: memref<100096xf32, #tpu.memory_space<vmem_shared>>, %arg17: memref<!tpu.dma_semaphore, #tpu.memory_space<semaphore_mem>>, %arg18: memref<!tpu.dma_semaphore, #tpu.memory_space<semaphore_mem>>, %arg19: memref<!tpu.dma_semaphore, #tpu.memory_space<semaphore_mem>>, %arg20: memref<!tpu.dma_semaphore, #tpu.memory_space<semaphore_mem>>, %arg21: memref<!tpu.dma_semaphore, #tpu.memory_space<semaphore_mem>>, %arg22: memref<!tpu.dma_semaphore, #tpu.memory_space<semaphore_mem>>, %arg23: memref<!tpu.dma_semaphore, #tpu.memory_space<semaphore_mem>>, %arg24: memref<!tpu.dma_semaphore, #tpu.memory_space<semaphore_mem>>, %arg25: memref<!tpu.dma_semaphore, #tpu.memory_space<semaphore_mem>>, %arg26: memref<!tpu.dma_semaphore, #tpu.memory_space<semaphore_mem>>) attributes {dimension_semantics = [#tpu.dimension_semantics<core_parallel>, #tpu.dimension_semantics<subcore_parallel>], iteration_bounds = array<i64: 2, 16>, scalar_prefetch = 0 : i64, scratch_operands = 17 : i64, tpu.core_type = #tpu.core_type<sc_vector_subcore>, window_params = [{transform_indices = #map}, {transform_indices = #map}, {transform_indices = #map}, {transform_indices = #map1}, {transform_indices = #map1}, {transform_indices = #map}, {transform_indices = #map}, {transform_indices = #map1}]} {
    %mul3A = arith.constant 2 : i32
    %mul3A_0 = arith.muli %arg1, %mul3A : i32
    %add3A = arith.addi %mul3A_0, %arg0 : i32
    %mul3A_1 = arith.constant 6256 : i32
    %mul3A_2 = arith.muli %arg1, %mul3A_1 : i32
    "tpu.region"() ({
      %run_scoped3A = tpu.sem_alloc : memref<!tpu.dma_semaphore, #tpu.memory_space<semaphore_mem>>
      %dma_start3A_37 = arith.constant 0 : i32
      %dma_start3A_38 = tpu.memref_slice %arg14[%mul3A_2, %dma_start3A_37] : memref<100096x16xf32, #tpu.memory_space<vmem_shared>> -> memref<6256x16xf32, #tpu.memory_space<vmem_shared>>
      %dma_start3A_39 = arith.constant 0 : i32
      %dma_start3A_40 = tpu.memref_slice %arg7[%mul3A_2, %dma_start3A_39] : memref<100096x16xf32, #tpu.memory_space<hbm>> -> memref<6256x16xf32, #tpu.memory_space<hbm>>
      tpu.enqueue_dma source(%dma_start3A_40 : memref<6256x16xf32, #tpu.memory_space<hbm>>) target(%dma_start3A_38 : memref<6256x16xf32, #tpu.memory_space<vmem_shared>>) target_semaphore(%run_scoped3A : memref<!tpu.dma_semaphore, #tpu.memory_space<semaphore_mem>>)
      %dma_wait3A = arith.constant 0 : i32
      %dma_wait3A_41 = tpu.memref_slice %arg14[%mul3A_2, %dma_wait3A] : memref<100096x16xf32, #tpu.memory_space<vmem_shared>> -> memref<6256x16xf32, #tpu.memory_space<vmem_shared>>
      %dma_wait3A_42 = arith.constant 0 : i32
      %dma_wait3A_43 = tpu.memref_slice %arg7[%mul3A_2, %dma_wait3A_42] : memref<100096x16xf32, #tpu.memory_space<hbm>> -> memref<6256x16xf32, #tpu.memory_space<hbm>>
      tpu.wait_dma2 semaphore(%run_scoped3A : memref<!tpu.dma_semaphore, #tpu.memory_space<semaphore_mem>>) src(%dma_wait3A_43 : memref<6256x16xf32, #tpu.memory_space<hbm>>) dst(%dma_wait3A_41 : memref<6256x16xf32, #tpu.memory_space<vmem_shared>>)
      tpu.yield
    }) : () -> ()
    "tpu.region"() ({
      %run_scoped3A = tpu.sem_alloc : memref<!tpu.dma_semaphore, #tpu.memory_space<semaphore_mem>>
      %dma_start3A_37 = tpu.memref_slice %arg15[%mul3A_2] : memref<100096xf32, #tpu.memory_space<vmem_shared>> -> memref<6256xf32, #tpu.memory_space<vmem_shared>>
      %dma_start3A_38 = tpu.memref_slice %arg6[%mul3A_2] : memref<100096xf32, #tpu.memory_space<hbm>> -> memref<6256xf32, #tpu.memory_space<hbm>>
      tpu.enqueue_dma source(%dma_start3A_38 : memref<6256xf32, #tpu.memory_space<hbm>>) target(%dma_start3A_37 : memref<6256xf32, #tpu.memory_space<vmem_shared>>) target_semaphore(%run_scoped3A : memref<!tpu.dma_semaphore, #tpu.memory_space<semaphore_mem>>)
      %dma_wait3A = tpu.memref_slice %arg15[%mul3A_2] : memref<100096xf32, #tpu.memory_space<vmem_shared>> -> memref<6256xf32, #tpu.memory_space<vmem_shared>>
      %dma_wait3A_39 = tpu.memref_slice %arg6[%mul3A_2] : memref<100096xf32, #tpu.memory_space<hbm>> -> memref<6256xf32, #tpu.memory_space<hbm>>
      tpu.wait_dma2 semaphore(%run_scoped3A : memref<!tpu.dma_semaphore, #tpu.memory_space<semaphore_mem>>) src(%dma_wait3A_39 : memref<6256xf32, #tpu.memory_space<hbm>>) dst(%dma_wait3A : memref<6256xf32, #tpu.memory_space<vmem_shared>>)
      tpu.yield
    }) : () -> ()
    "tpu.region"() ({
      %run_scoped3A = tpu.sem_alloc : memref<!tpu.dma_semaphore, #tpu.memory_space<semaphore_mem>>
      %dma_start3A_37 = tpu.memref_slice %arg16[%mul3A_2] : memref<100096xf32, #tpu.memory_space<vmem_shared>> -> memref<6256xf32, #tpu.memory_space<vmem_shared>>
      %dma_start3A_38 = tpu.memref_slice %arg5[%mul3A_2] : memref<100096xf32, #tpu.memory_space<hbm>> -> memref<6256xf32, #tpu.memory_space<hbm>>
      tpu.enqueue_dma source(%dma_start3A_38 : memref<6256xf32, #tpu.memory_space<hbm>>) target(%dma_start3A_37 : memref<6256xf32, #tpu.memory_space<vmem_shared>>) target_semaphore(%run_scoped3A : memref<!tpu.dma_semaphore, #tpu.memory_space<semaphore_mem>>)
      %dma_wait3A = tpu.memref_slice %arg16[%mul3A_2] : memref<100096xf32, #tpu.memory_space<vmem_shared>> -> memref<6256xf32, #tpu.memory_space<vmem_shared>>
      %dma_wait3A_39 = tpu.memref_slice %arg5[%mul3A_2] : memref<100096xf32, #tpu.memory_space<hbm>> -> memref<6256xf32, #tpu.memory_space<hbm>>
      tpu.wait_dma2 semaphore(%run_scoped3A : memref<!tpu.dma_semaphore, #tpu.memory_space<semaphore_mem>>) src(%dma_wait3A_39 : memref<6256xf32, #tpu.memory_space<hbm>>) dst(%dma_wait3A : memref<6256xf32, #tpu.memory_space<vmem_shared>>)
      tpu.yield
    }) : () -> ()
    %barrier3A = arith.constant 0 : index
    tpu.barrier barrier_id(%barrier3A)
    %mul3A_3 = arith.constant 400 : i32
    %mul3A_4 = arith.muli %add3A, %mul3A_3 : i32
    %dma_start3A = arith.constant 0 : i32
    %dma_start3A_5 = arith.constant 0 : i32
    %dma_start3A_6 = tpu.memref_slice %arg10[%dma_start3A, %dma_start3A_5] : memref<32x128xi32, #tpu.memory_space<vmem>> -> memref<16x128xi32, #tpu.memory_space<vmem>>
    %dma_start3A_7 = arith.constant 0 : i32
    %dma_start3A_8 = tpu.memref_slice %arg2[%mul3A_4, %dma_start3A_7] : memref<12800x128xi32, #tpu.memory_space<hbm>> -> memref<16x128xi32, #tpu.memory_space<hbm>>
    %dma_start3A_9 = arith.constant 0 : i32
    %dma_start3A_10 = arith.constant 0 : i32
    %dma_start3A_11 = tpu.memref_slice %arg10[%dma_start3A_9, %dma_start3A_10] : memref<32x128xi32, #tpu.memory_space<vmem>> -> memref<16x128xi32, #tpu.memory_space<vmem>>
    %dma_start3A_12 = arith.constant 0 : i32
    %dma_start3A_13 = tpu.memref_slice %arg2[%mul3A_4, %dma_start3A_12] : memref<12800x128xi32, #tpu.memory_space<hbm>> -> memref<16x128xi32, #tpu.memory_space<hbm>>
    tpu.enqueue_dma source(%dma_start3A_13 : memref<16x128xi32, #tpu.memory_space<hbm>>) target(%dma_start3A_11 : memref<16x128xi32, #tpu.memory_space<vmem>>) target_semaphore(%arg25 : memref<!tpu.dma_semaphore, #tpu.memory_space<semaphore_mem>>)
    %mul3A_14 = arith.constant 400 : i32
    %mul3A_15 = arith.muli %add3A, %mul3A_14 : i32
    %dma_start3A_16 = arith.constant 0 : i32
    %dma_start3A_17 = arith.constant 0 : i32
    %dma_start3A_18 = tpu.memref_slice %arg11[%dma_start3A_16, %dma_start3A_17] : memref<32x128xi32, #tpu.memory_space<vmem>> -> memref<16x128xi32, #tpu.memory_space<vmem>>
    %dma_start3A_19 = arith.constant 0 : i32
    %dma_start3A_20 = tpu.memref_slice %arg3[%mul3A_15, %dma_start3A_19] : memref<12800x128xi32, #tpu.memory_space<hbm>> -> memref<16x128xi32, #tpu.memory_space<hbm>>
    %dma_start3A_21 = arith.constant 0 : i32
    %dma_start3A_22 = arith.constant 0 : i32
    %dma_start3A_23 = tpu.memref_slice %arg11[%dma_start3A_21, %dma_start3A_22] : memref<32x128xi32, #tpu.memory_space<vmem>> -> memref<16x128xi32, #tpu.memory_space<vmem>>
    %dma_start3A_24 = arith.constant 0 : i32
    %dma_start3A_25 = tpu.memref_slice %arg3[%mul3A_15, %dma_start3A_24] : memref<12800x128xi32, #tpu.memory_space<hbm>> -> memref<16x128xi32, #tpu.memory_space<hbm>>
    tpu.enqueue_dma source(%dma_start3A_25 : memref<16x128xi32, #tpu.memory_space<hbm>>) target(%dma_start3A_23 : memref<16x128xi32, #tpu.memory_space<vmem>>) target_semaphore(%arg26 : memref<!tpu.dma_semaphore, #tpu.memory_space<semaphore_mem>>)
    %scan3A = arith.constant 0 : i32
    %scan3A_26 = arith.constant 25 : i32
    %scan3A_27 = arith.addi %scan3A, %scan3A_26 : i32
    %scan3A_28 = arith.constant 1 : i32
    scf.for %scan3A_37 = %scan3A to %scan3A_27 step %scan3A_28  : i32 {
      %mul3A_38 = arith.constant 1 : i32
      %mul3A_39 = arith.muli %scan3A_37, %mul3A_38 : i32
      %add3A_40 = arith.constant 0 : i32
      %add3A_41 = arith.addi %add3A_40, %mul3A_39 : i32
      %rem3A = arith.constant 2 : i32
      %rem3A_42 = arith.remsi %add3A_41, %rem3A : i32
      %mul3A_43 = arith.constant 16 : i32
      %mul3A_44 = arith.muli %rem3A_42, %mul3A_43 : i32
      %sub3A = arith.constant 16 : i32
      %sub3A_45 = arith.subi %sub3A, %mul3A_44 : i32
      %dma_wait3A = arith.constant 0 : i32
      %dma_wait3A_46 = tpu.memref_slice %arg10[%mul3A_44, %dma_wait3A] : memref<32x128xi32, #tpu.memory_space<vmem>> -> memref<16x128xi32, #tpu.memory_space<vmem>>
      %dma_wait3A_47 = arith.constant 0 : i32
      %dma_wait3A_48 = arith.constant 0 : i32
      %dma_wait3A_49 = tpu.memref_slice %arg2[%dma_wait3A_47, %dma_wait3A_48] : memref<12800x128xi32, #tpu.memory_space<hbm>> -> memref<16x128xi32, #tpu.memory_space<hbm>>
      %dma_wait3A_50 = arith.constant 0 : i32
      %dma_wait3A_51 = tpu.memref_slice %arg10[%mul3A_44, %dma_wait3A_50] : memref<32x128xi32, #tpu.memory_space<vmem>> -> memref<16x128xi32, #tpu.memory_space<vmem>>
      %dma_wait3A_52 = arith.constant 0 : i32
      %dma_wait3A_53 = arith.constant 0 : i32
      %dma_wait3A_54 = tpu.memref_slice %arg2[%dma_wait3A_52, %dma_wait3A_53] : memref<12800x128xi32, #tpu.memory_space<hbm>> -> memref<16x128xi32, #tpu.memory_space<hbm>>
      tpu.wait_dma2 semaphore(%arg25 : memref<!tpu.dma_semaphore, #tpu.memory_space<semaphore_mem>>) src(%dma_wait3A_54 : memref<16x128xi32, #tpu.memory_space<hbm>>) dst(%dma_wait3A_51 : memref<16x128xi32, #tpu.memory_space<vmem>>)
      %dma_wait3A_55 = arith.constant 0 : i32
      %dma_wait3A_56 = tpu.memref_slice %arg11[%mul3A_44, %dma_wait3A_55] : memref<32x128xi32, #tpu.memory_space<vmem>> -> memref<16x128xi32, #tpu.memory_space<vmem>>
      %dma_wait3A_57 = arith.constant 0 : i32
      %dma_wait3A_58 = arith.constant 0 : i32
      %dma_wait3A_59 = tpu.memref_slice %arg3[%dma_wait3A_57, %dma_wait3A_58] : memref<12800x128xi32, #tpu.memory_space<hbm>> -> memref<16x128xi32, #tpu.memory_space<hbm>>
      %dma_wait3A_60 = arith.constant 0 : i32
      %dma_wait3A_61 = tpu.memref_slice %arg11[%mul3A_44, %dma_wait3A_60] : memref<32x128xi32, #tpu.memory_space<vmem>> -> memref<16x128xi32, #tpu.memory_space<vmem>>
      %dma_wait3A_62 = arith.constant 0 : i32
      %dma_wait3A_63 = arith.constant 0 : i32
      %dma_wait3A_64 = tpu.memref_slice %arg3[%dma_wait3A_62, %dma_wait3A_63] : memref<12800x128xi32, #tpu.memory_space<hbm>> -> memref<16x128xi32, #tpu.memory_space<hbm>>
      tpu.wait_dma2 semaphore(%arg26 : memref<!tpu.dma_semaphore, #tpu.memory_space<semaphore_mem>>) src(%dma_wait3A_64 : memref<16x128xi32, #tpu.memory_space<hbm>>) dst(%dma_wait3A_61 : memref<16x128xi32, #tpu.memory_space<vmem>>)
      %lt3A = arith.constant 24 : i32
      %lt3A_65 = arith.cmpi slt, %add3A_41, %lt3A : i32
      %convert_element_type3A = arith.extui %lt3A_65 : i1 to i32
      %cond3A = arith.constant 0 : i32
      %cond3A_66 = arith.cmpi ne, %convert_element_type3A, %cond3A : i32
      scf.if %cond3A_66 {
        %mul3A_72 = arith.constant 400 : i32
        %mul3A_73 = arith.muli %add3A, %mul3A_72 : i32
        %add3A_74 = arith.constant 1 : i32
        %add3A_75 = arith.addi %add3A_41, %add3A_74 : i32
        %mul3A_76 = arith.constant 16 : i32
        %mul3A_77 = arith.muli %add3A_75, %mul3A_76 : i32
        %add3A_78 = arith.addi %mul3A_73, %mul3A_77 : i32
        %dma_start3A_79 = arith.constant 0 : i32
        %dma_start3A_80 = tpu.memref_slice %arg10[%sub3A_45, %dma_start3A_79] : memref<32x128xi32, #tpu.memory_space<vmem>> -> memref<16x128xi32, #tpu.memory_space<vmem>>
        %dma_start3A_81 = arith.constant 0 : i32
        %dma_start3A_82 = tpu.memref_slice %arg2[%add3A_78, %dma_start3A_81] : memref<12800x128xi32, #tpu.memory_space<hbm>> -> memref<16x128xi32, #tpu.memory_space<hbm>>
        %dma_start3A_83 = arith.constant 0 : i32
        %dma_start3A_84 = tpu.memref_slice %arg10[%sub3A_45, %dma_start3A_83] : memref<32x128xi32, #tpu.memory_space<vmem>> -> memref<16x128xi32, #tpu.memory_space<vmem>>
        %dma_start3A_85 = arith.constant 0 : i32
        %dma_start3A_86 = tpu.memref_slice %arg2[%add3A_78, %dma_start3A_85] : memref<12800x128xi32, #tpu.memory_space<hbm>> -> memref<16x128xi32, #tpu.memory_space<hbm>>
        tpu.enqueue_dma source(%dma_start3A_86 : memref<16x128xi32, #tpu.memory_space<hbm>>) target(%dma_start3A_84 : memref<16x128xi32, #tpu.memory_space<vmem>>) target_semaphore(%arg25 : memref<!tpu.dma_semaphore, #tpu.memory_space<semaphore_mem>>)
        %mul3A_87 = arith.constant 400 : i32
        %mul3A_88 = arith.muli %add3A, %mul3A_87 : i32
        %add3A_89 = arith.constant 1 : i32
        %add3A_90 = arith.addi %add3A_41, %add3A_89 : i32
        %mul3A_91 = arith.constant 16 : i32
        %mul3A_92 = arith.muli %add3A_90, %mul3A_91 : i32
        %add3A_93 = arith.addi %mul3A_88, %mul3A_92 : i32
        %dma_start3A_94 = arith.constant 0 : i32
        %dma_start3A_95 = tpu.memref_slice %arg11[%sub3A_45, %dma_start3A_94] : memref<32x128xi32, #tpu.memory_space<vmem>> -> memref<16x128xi32, #tpu.memory_space<vmem>>
        %dma_start3A_96 = arith.constant 0 : i32
        %dma_start3A_97 = tpu.memref_slice %arg3[%add3A_93, %dma_start3A_96] : memref<12800x128xi32, #tpu.memory_space<hbm>> -> memref<16x128xi32, #tpu.memory_space<hbm>>
        %dma_start3A_98 = arith.constant 0 : i32
        %dma_start3A_99 = tpu.memref_slice %arg11[%sub3A_45, %dma_start3A_98] : memref<32x128xi32, #tpu.memory_space<vmem>> -> memref<16x128xi32, #tpu.memory_space<vmem>>
        %dma_start3A_100 = arith.constant 0 : i32
        %dma_start3A_101 = tpu.memref_slice %arg3[%add3A_93, %dma_start3A_100] : memref<12800x128xi32, #tpu.memory_space<hbm>> -> memref<16x128xi32, #tpu.memory_space<hbm>>
        tpu.enqueue_dma source(%dma_start3A_101 : memref<16x128xi32, #tpu.memory_space<hbm>>) target(%dma_start3A_99 : memref<16x128xi32, #tpu.memory_space<vmem>>) target_semaphore(%arg26 : memref<!tpu.dma_semaphore, #tpu.memory_space<semaphore_mem>>)
      } else {
      }
      %scan3A_67 = arith.constant 0 : i32
      %scan3A_68 = arith.constant 4 : i32
      %scan3A_69 = arith.addi %scan3A_67, %scan3A_68 : i32
      %scan3A_70 = arith.constant 1 : i32
      scf.for %scan3A_72 = %scan3A_67 to %scan3A_69 step %scan3A_70  : i32 {
        %mul3A_73 = arith.constant 4 : i32
        %mul3A_74 = arith.muli %scan3A_72, %mul3A_73 : i32
        %add3A_75 = arith.constant 0 : i32
        %add3A_76 = arith.addi %add3A_75, %mul3A_74 : i32
        %add3A_77 = arith.addi %mul3A_44, %add3A_76 : i32
        %add3A_78 = arith.constant 0 : i32
        %add3A_79 = arith.addi %add3A_77, %add3A_78 : i32
        %dma_start3A_80 = arith.constant 0 : i32
        %dma_start3A_81 = arith.constant 0 : i32
        %dma_start3A_82 = arith.constant 0 : i32
        %dma_start3A_83 = tpu.memref_slice %arg12[%dma_start3A_80, %dma_start3A_81, %dma_start3A_82] : memref<4x128x16xf32, #tpu.memory_space<vmem>> -> memref<1x128x16xf32, #tpu.memory_space<vmem>>
        %dma_start3A_84 = tpu.memref_squeeze %dma_start3A_83 : memref<1x128x16xf32, #tpu.memory_space<vmem>> -> memref<128x16xf32, #tpu.memory_space<vmem>>
        %dma_start3A_85 = arith.constant 0 : i32
        %dma_start3A_86 = tpu.memref_slice %arg10[%add3A_79, %dma_start3A_85] : memref<32x128xi32, #tpu.memory_space<vmem>> -> memref<1x128xi32, #tpu.memory_space<vmem>>
        %dma_start3A_87 = tpu.memref_squeeze %dma_start3A_86 : memref<1x128xi32, #tpu.memory_space<vmem>> -> memref<128xi32, #tpu.memory_space<vmem>>
        %dma_start3A_88 = arith.constant 0 : i32
        %dma_start3A_89 = arith.constant 0 : i32
        %dma_start3A_90 = tpu.memref_slice %arg4[%dma_start3A_88, %dma_start3A_89] : memref<100096x16xf32, #tpu.memory_space<hbm>> -> memref<100096x16xf32, #tpu.memory_space<hbm>>
        tpu.enqueue_indirect_dma source(%dma_start3A_90 : memref<100096x16xf32, #tpu.memory_space<hbm>>) target(%dma_start3A_84 : memref<128x16xf32, #tpu.memory_space<vmem>>) offsets(%dma_start3A_87 : memref<128xi32, #tpu.memory_space<vmem>>) semaphore(%arg17 : memref<!tpu.dma_semaphore, #tpu.memory_space<semaphore_mem>>)
        %dma_start3A_91 = arith.constant 0 : i32
        %dma_start3A_92 = arith.constant 0 : i32
        %dma_start3A_93 = tpu.memref_slice %arg13[%dma_start3A_91, %dma_start3A_92] : memref<4x128xf32, #tpu.memory_space<vmem>> -> memref<1x128xf32, #tpu.memory_space<vmem>>
        %dma_start3A_94 = tpu.memref_squeeze %dma_start3A_93 : memref<1x128xf32, #tpu.memory_space<vmem>> -> memref<128xf32, #tpu.memory_space<vmem>>
        %dma_start3A_95 = arith.constant 0 : i32
        %dma_start3A_96 = tpu.memref_slice %arg11[%add3A_79, %dma_start3A_95] : memref<32x128xi32, #tpu.memory_space<vmem>> -> memref<1x128xi32, #tpu.memory_space<vmem>>
        %dma_start3A_97 = tpu.memref_squeeze %dma_start3A_96 : memref<1x128xi32, #tpu.memory_space<vmem>> -> memref<128xi32, #tpu.memory_space<vmem>>
        %dma_start3A_98 = arith.constant 0 : i32
        %dma_start3A_99 = tpu.memref_slice %arg16[%dma_start3A_98] : memref<100096xf32, #tpu.memory_space<vmem_shared>> -> memref<100096xf32, #tpu.memory_space<vmem_shared>>
        tpu.enqueue_indirect_dma source(%dma_start3A_99 : memref<100096xf32, #tpu.memory_space<vmem_shared>>) target(%dma_start3A_94 : memref<128xf32, #tpu.memory_space<vmem>>) offsets(%dma_start3A_97 : memref<128xi32, #tpu.memory_space<vmem>>) semaphore(%arg21 : memref<!tpu.dma_semaphore, #tpu.memory_space<semaphore_mem>>)
        %add3A_100 = arith.addi %mul3A_44, %add3A_76 : i32
        %add3A_101 = arith.constant 1 : i32
        %add3A_102 = arith.addi %add3A_100, %add3A_101 : i32
        %dma_start3A_103 = arith.constant 1 : i32
        %dma_start3A_104 = arith.constant 0 : i32
        %dma_start3A_105 = arith.constant 0 : i32
        %dma_start3A_106 = tpu.memref_slice %arg12[%dma_start3A_103, %dma_start3A_104, %dma_start3A_105] : memref<4x128x16xf32, #tpu.memory_space<vmem>> -> memref<1x128x16xf32, #tpu.memory_space<vmem>>
        %dma_start3A_107 = tpu.memref_squeeze %dma_start3A_106 : memref<1x128x16xf32, #tpu.memory_space<vmem>> -> memref<128x16xf32, #tpu.memory_space<vmem>>
        %dma_start3A_108 = arith.constant 0 : i32
        %dma_start3A_109 = tpu.memref_slice %arg10[%add3A_102, %dma_start3A_108] : memref<32x128xi32, #tpu.memory_space<vmem>> -> memref<1x128xi32, #tpu.memory_space<vmem>>
        %dma_start3A_110 = tpu.memref_squeeze %dma_start3A_109 : memref<1x128xi32, #tpu.memory_space<vmem>> -> memref<128xi32, #tpu.memory_space<vmem>>
        %dma_start3A_111 = arith.constant 0 : i32
        %dma_start3A_112 = arith.constant 0 : i32
        %dma_start3A_113 = tpu.memref_slice %arg4[%dma_start3A_111, %dma_start3A_112] : memref<100096x16xf32, #tpu.memory_space<hbm>> -> memref<100096x16xf32, #tpu.memory_space<hbm>>
        tpu.enqueue_indirect_dma source(%dma_start3A_113 : memref<100096x16xf32, #tpu.memory_space<hbm>>) target(%dma_start3A_107 : memref<128x16xf32, #tpu.memory_space<vmem>>) offsets(%dma_start3A_110 : memref<128xi32, #tpu.memory_space<vmem>>) semaphore(%arg18 : memref<!tpu.dma_semaphore, #tpu.memory_space<semaphore_mem>>)
        %dma_start3A_114 = arith.constant 1 : i32
        %dma_start3A_115 = arith.constant 0 : i32
        %dma_start3A_116 = tpu.memref_slice %arg13[%dma_start3A_114, %dma_start3A_115] : memref<4x128xf32, #tpu.memory_space<vmem>> -> memref<1x128xf32, #tpu.memory_space<vmem>>
        %dma_start3A_117 = tpu.memref_squeeze %dma_start3A_116 : memref<1x128xf32, #tpu.memory_space<vmem>> -> memref<128xf32, #tpu.memory_space<vmem>>
        %dma_start3A_118 = arith.constant 0 : i32
        %dma_start3A_119 = tpu.memref_slice %arg11[%add3A_102, %dma_start3A_118] : memref<32x128xi32, #tpu.memory_space<vmem>> -> memref<1x128xi32, #tpu.memory_space<vmem>>
        %dma_start3A_120 = tpu.memref_squeeze %dma_start3A_119 : memref<1x128xi32, #tpu.memory_space<vmem>> -> memref<128xi32, #tpu.memory_space<vmem>>
        %dma_start3A_121 = arith.constant 0 : i32
        %dma_start3A_122 = tpu.memref_slice %arg16[%dma_start3A_121] : memref<100096xf32, #tpu.memory_space<vmem_shared>> -> memref<100096xf32, #tpu.memory_space<vmem_shared>>
        tpu.enqueue_indirect_dma source(%dma_start3A_122 : memref<100096xf32, #tpu.memory_space<vmem_shared>>) target(%dma_start3A_117 : memref<128xf32, #tpu.memory_space<vmem>>) offsets(%dma_start3A_120 : memref<128xi32, #tpu.memory_space<vmem>>) semaphore(%arg22 : memref<!tpu.dma_semaphore, #tpu.memory_space<semaphore_mem>>)
        %add3A_123 = arith.addi %mul3A_44, %add3A_76 : i32
        %add3A_124 = arith.constant 2 : i32
        %add3A_125 = arith.addi %add3A_123, %add3A_124 : i32
        %dma_start3A_126 = arith.constant 2 : i32
        %dma_start3A_127 = arith.constant 0 : i32
        %dma_start3A_128 = arith.constant 0 : i32
        %dma_start3A_129 = tpu.memref_slice %arg12[%dma_start3A_126, %dma_start3A_127, %dma_start3A_128] : memref<4x128x16xf32, #tpu.memory_space<vmem>> -> memref<1x128x16xf32, #tpu.memory_space<vmem>>
        %dma_start3A_130 = tpu.memref_squeeze %dma_start3A_129 : memref<1x128x16xf32, #tpu.memory_space<vmem>> -> memref<128x16xf32, #tpu.memory_space<vmem>>
        %dma_start3A_131 = arith.constant 0 : i32
        %dma_start3A_132 = tpu.memref_slice %arg10[%add3A_125, %dma_start3A_131] : memref<32x128xi32, #tpu.memory_space<vmem>> -> memref<1x128xi32, #tpu.memory_space<vmem>>
        %dma_start3A_133 = tpu.memref_squeeze %dma_start3A_132 : memref<1x128xi32, #tpu.memory_space<vmem>> -> memref<128xi32, #tpu.memory_space<vmem>>
        %dma_start3A_134 = arith.constant 0 : i32
        %dma_start3A_135 = arith.constant 0 : i32
        %dma_start3A_136 = tpu.memref_slice %arg4[%dma_start3A_134, %dma_start3A_135] : memref<100096x16xf32, #tpu.memory_space<hbm>> -> memref<100096x16xf32, #tpu.memory_space<hbm>>
        tpu.enqueue_indirect_dma source(%dma_start3A_136 : memref<100096x16xf32, #tpu.memory_space<hbm>>) target(%dma_start3A_130 : memref<128x16xf32, #tpu.memory_space<vmem>>) offsets(%dma_start3A_133 : memref<128xi32, #tpu.memory_space<vmem>>) semaphore(%arg19 : memref<!tpu.dma_semaphore, #tpu.memory_space<semaphore_mem>>)
        %dma_start3A_137 = arith.constant 2 : i32
        %dma_start3A_138 = arith.constant 0 : i32
        %dma_start3A_139 = tpu.memref_slice %arg13[%dma_start3A_137, %dma_start3A_138] : memref<4x128xf32, #tpu.memory_space<vmem>> -> memref<1x128xf32, #tpu.memory_space<vmem>>
        %dma_start3A_140 = tpu.memref_squeeze %dma_start3A_139 : memref<1x128xf32, #tpu.memory_space<vmem>> -> memref<128xf32, #tpu.memory_space<vmem>>
        %dma_start3A_141 = arith.constant 0 : i32
        %dma_start3A_142 = tpu.memref_slice %arg11[%add3A_125, %dma_start3A_141] : memref<32x128xi32, #tpu.memory_space<vmem>> -> memref<1x128xi32, #tpu.memory_space<vmem>>
        %dma_start3A_143 = tpu.memref_squeeze %dma_start3A_142 : memref<1x128xi32, #tpu.memory_space<vmem>> -> memref<128xi32, #tpu.memory_space<vmem>>
        %dma_start3A_144 = arith.constant 0 : i32
        %dma_start3A_145 = tpu.memref_slice %arg16[%dma_start3A_144] : memref<100096xf32, #tpu.memory_space<vmem_shared>> -> memref<100096xf32, #tpu.memory_space<vmem_shared>>
        tpu.enqueue_indirect_dma source(%dma_start3A_145 : memref<100096xf32, #tpu.memory_space<vmem_shared>>) target(%dma_start3A_140 : memref<128xf32, #tpu.memory_space<vmem>>) offsets(%dma_start3A_143 : memref<128xi32, #tpu.memory_space<vmem>>) semaphore(%arg23 : memref<!tpu.dma_semaphore, #tpu.memory_space<semaphore_mem>>)
        %add3A_146 = arith.addi %mul3A_44, %add3A_76 : i32
        %add3A_147 = arith.constant 3 : i32
        %add3A_148 = arith.addi %add3A_146, %add3A_147 : i32
        %dma_start3A_149 = arith.constant 3 : i32
        %dma_start3A_150 = arith.constant 0 : i32
        %dma_start3A_151 = arith.constant 0 : i32
        %dma_start3A_152 = tpu.memref_slice %arg12[%dma_start3A_149, %dma_start3A_150, %dma_start3A_151] : memref<4x128x16xf32, #tpu.memory_space<vmem>> -> memref<1x128x16xf32, #tpu.memory_space<vmem>>
        %dma_start3A_153 = tpu.memref_squeeze %dma_start3A_152 : memref<1x128x16xf32, #tpu.memory_space<vmem>> -> memref<128x16xf32, #tpu.memory_space<vmem>>
        %dma_start3A_154 = arith.constant 0 : i32
        %dma_start3A_155 = tpu.memref_slice %arg10[%add3A_148, %dma_start3A_154] : memref<32x128xi32, #tpu.memory_space<vmem>> -> memref<1x128xi32, #tpu.memory_space<vmem>>
        %dma_start3A_156 = tpu.memref_squeeze %dma_start3A_155 : memref<1x128xi32, #tpu.memory_space<vmem>> -> memref<128xi32, #tpu.memory_space<vmem>>
        %dma_start3A_157 = arith.constant 0 : i32
        %dma_start3A_158 = arith.constant 0 : i32
        %dma_start3A_159 = tpu.memref_slice %arg4[%dma_start3A_157, %dma_start3A_158] : memref<100096x16xf32, #tpu.memory_space<hbm>> -> memref<100096x16xf32, #tpu.memory_space<hbm>>
        tpu.enqueue_indirect_dma source(%dma_start3A_159 : memref<100096x16xf32, #tpu.memory_space<hbm>>) target(%dma_start3A_153 : memref<128x16xf32, #tpu.memory_space<vmem>>) offsets(%dma_start3A_156 : memref<128xi32, #tpu.memory_space<vmem>>) semaphore(%arg20 : memref<!tpu.dma_semaphore, #tpu.memory_space<semaphore_mem>>)
        %dma_start3A_160 = arith.constant 3 : i32
        %dma_start3A_161 = arith.constant 0 : i32
        %dma_start3A_162 = tpu.memref_slice %arg13[%dma_start3A_160, %dma_start3A_161] : memref<4x128xf32, #tpu.memory_space<vmem>> -> memref<1x128xf32, #tpu.memory_space<vmem>>
        %dma_start3A_163 = tpu.memref_squeeze %dma_start3A_162 : memref<1x128xf32, #tpu.memory_space<vmem>> -> memref<128xf32, #tpu.memory_space<vmem>>
        %dma_start3A_164 = arith.constant 0 : i32
        %dma_start3A_165 = tpu.memref_slice %arg11[%add3A_148, %dma_start3A_164] : memref<32x128xi32, #tpu.memory_space<vmem>> -> memref<1x128xi32, #tpu.memory_space<vmem>>
        %dma_start3A_166 = tpu.memref_squeeze %dma_start3A_165 : memref<1x128xi32, #tpu.memory_space<vmem>> -> memref<128xi32, #tpu.memory_space<vmem>>
        %dma_start3A_167 = arith.constant 0 : i32
        %dma_start3A_168 = tpu.memref_slice %arg16[%dma_start3A_167] : memref<100096xf32, #tpu.memory_space<vmem_shared>> -> memref<100096xf32, #tpu.memory_space<vmem_shared>>
        tpu.enqueue_indirect_dma source(%dma_start3A_168 : memref<100096xf32, #tpu.memory_space<vmem_shared>>) target(%dma_start3A_163 : memref<128xf32, #tpu.memory_space<vmem>>) offsets(%dma_start3A_166 : memref<128xi32, #tpu.memory_space<vmem>>) semaphore(%arg24 : memref<!tpu.dma_semaphore, #tpu.memory_space<semaphore_mem>>)
        %add3A_169 = arith.addi %mul3A_44, %add3A_76 : i32
        %add3A_170 = arith.constant 0 : i32
        %add3A_171 = arith.addi %add3A_169, %add3A_170 : i32
        %dma_wait3A_172 = arith.constant 0 : i32
        %dma_wait3A_173 = arith.constant 0 : i32
        %dma_wait3A_174 = arith.constant 0 : i32
        %dma_wait3A_175 = tpu.memref_slice %arg12[%dma_wait3A_172, %dma_wait3A_173, %dma_wait3A_174] : memref<4x128x16xf32, #tpu.memory_space<vmem>> -> memref<1x128x16xf32, #tpu.memory_space<vmem>>
        %dma_wait3A_176 = tpu.memref_squeeze %dma_wait3A_175 : memref<1x128x16xf32, #tpu.memory_space<vmem>> -> memref<128x16xf32, #tpu.memory_space<vmem>>
        %dma_wait3A_177 = arith.constant 0 : i32
        %dma_wait3A_178 = tpu.memref_slice %arg10[%add3A_79, %dma_wait3A_177] : memref<32x128xi32, #tpu.memory_space<vmem>> -> memref<1x128xi32, #tpu.memory_space<vmem>>
        %dma_wait3A_179 = tpu.memref_squeeze %dma_wait3A_178 : memref<1x128xi32, #tpu.memory_space<vmem>> -> memref<128xi32, #tpu.memory_space<vmem>>
        %dma_wait3A_180 = arith.constant 0 : i32
        %dma_wait3A_181 = arith.constant 0 : i32
        %dma_wait3A_182 = tpu.memref_slice %arg4[%dma_wait3A_180, %dma_wait3A_181] : memref<100096x16xf32, #tpu.memory_space<hbm>> -> memref<100096x16xf32, #tpu.memory_space<hbm>>
        tpu.wait_indirect_dma semaphore(%arg17 : memref<!tpu.dma_semaphore, #tpu.memory_space<semaphore_mem>>) src(%dma_wait3A_182 : memref<100096x16xf32, #tpu.memory_space<hbm>>) dst(%dma_wait3A_176 : memref<128x16xf32, #tpu.memory_space<vmem>>)
        %run_scoped3A = arith.constant 0 : i32
        "tpu.region"() ({
          %run_scoped3A_268 = tpu.sem_alloc : memref<!tpu.dma_semaphore, #tpu.memory_space<semaphore_mem>>
          %dma_start3A_269 = arith.constant 0 : i32
          %dma_start3A_270 = arith.constant 0 : i32
          %dma_start3A_271 = tpu.memref_slice %arg12[%run_scoped3A, %dma_start3A_269, %dma_start3A_270] : memref<4x128x16xf32, #tpu.memory_space<vmem>> -> memref<1x128x16xf32, #tpu.memory_space<vmem>>
          %dma_start3A_272 = tpu.memref_squeeze %dma_start3A_271 : memref<1x128x16xf32, #tpu.memory_space<vmem>> -> memref<128x16xf32, #tpu.memory_space<vmem>>
          %dma_start3A_273 = arith.constant 0 : i32
          %dma_start3A_274 = tpu.memref_slice %arg11[%add3A_171, %dma_start3A_273] : memref<32x128xi32, #tpu.memory_space<vmem>> -> memref<1x128xi32, #tpu.memory_space<vmem>>
          %dma_start3A_275 = tpu.memref_squeeze %dma_start3A_274 : memref<1x128xi32, #tpu.memory_space<vmem>> -> memref<128xi32, #tpu.memory_space<vmem>>
          %dma_start3A_276 = arith.constant 0 : i32
          %dma_start3A_277 = arith.constant 0 : i32
          %dma_start3A_278 = tpu.memref_slice %arg14[%dma_start3A_276, %dma_start3A_277] : memref<100096x16xf32, #tpu.memory_space<vmem_shared>> -> memref<100096x16xf32, #tpu.memory_space<vmem_shared>>
          tpu.enqueue_indirect_dma source(%dma_start3A_272 : memref<128x16xf32, #tpu.memory_space<vmem>>) target(%dma_start3A_278 : memref<100096x16xf32, #tpu.memory_space<vmem_shared>>) offsets(%dma_start3A_275 : memref<128xi32, #tpu.memory_space<vmem>>) semaphore(%run_scoped3A_268 : memref<!tpu.dma_semaphore, #tpu.memory_space<semaphore_mem>>) {add = true}
          %dma_wait3A_279 = arith.constant 0 : i32
          %dma_wait3A_280 = arith.constant 0 : i32
          %dma_wait3A_281 = tpu.memref_slice %arg12[%run_scoped3A, %dma_wait3A_279, %dma_wait3A_280] : memref<4x128x16xf32, #tpu.memory_space<vmem>> -> memref<1x128x16xf32, #tpu.memory_space<vmem>>
          %dma_wait3A_282 = tpu.memref_squeeze %dma_wait3A_281 : memref<1x128x16xf32, #tpu.memory_space<vmem>> -> memref<128x16xf32, #tpu.memory_space<vmem>>
          %dma_wait3A_283 = arith.constant 0 : i32
          %dma_wait3A_284 = tpu.memref_slice %arg11[%add3A_171, %dma_wait3A_283] : memref<32x128xi32, #tpu.memory_space<vmem>> -> memref<1x128xi32, #tpu.memory_space<vmem>>
          %dma_wait3A_285 = tpu.memref_squeeze %dma_wait3A_284 : memref<1x128xi32, #tpu.memory_space<vmem>> -> memref<128xi32, #tpu.memory_space<vmem>>
          %dma_wait3A_286 = arith.constant 0 : i32
          %dma_wait3A_287 = arith.constant 0 : i32
          %dma_wait3A_288 = tpu.memref_slice %arg14[%dma_wait3A_286, %dma_wait3A_287] : memref<100096x16xf32, #tpu.memory_space<vmem_shared>> -> memref<100096x16xf32, #tpu.memory_space<vmem_shared>>
          tpu.wait_indirect_dma semaphore(%run_scoped3A_268 : memref<!tpu.dma_semaphore, #tpu.memory_space<semaphore_mem>>) src(%dma_wait3A_282 : memref<128x16xf32, #tpu.memory_space<vmem>>) dst(%dma_wait3A_288 : memref<100096x16xf32, #tpu.memory_space<vmem_shared>>)
          tpu.yield
        }) : () -> ()
        %dma_wait3A_183 = arith.constant 0 : i32
        %dma_wait3A_184 = arith.constant 0 : i32
        %dma_wait3A_185 = tpu.memref_slice %arg13[%dma_wait3A_183, %dma_wait3A_184] : memref<4x128xf32, #tpu.memory_space<vmem>> -> memref<1x128xf32, #tpu.memory_space<vmem>>
        %dma_wait3A_186 = tpu.memref_squeeze %dma_wait3A_185 : memref<1x128xf32, #tpu.memory_space<vmem>> -> memref<128xf32, #tpu.memory_space<vmem>>
        %dma_wait3A_187 = arith.constant 0 : i32
        %dma_wait3A_188 = tpu.memref_slice %arg11[%add3A_79, %dma_wait3A_187] : memref<32x128xi32, #tpu.memory_space<vmem>> -> memref<1x128xi32, #tpu.memory_space<vmem>>
        %dma_wait3A_189 = tpu.memref_squeeze %dma_wait3A_188 : memref<1x128xi32, #tpu.memory_space<vmem>> -> memref<128xi32, #tpu.memory_space<vmem>>
        %dma_wait3A_190 = arith.constant 0 : i32
        %dma_wait3A_191 = tpu.memref_slice %arg16[%dma_wait3A_190] : memref<100096xf32, #tpu.memory_space<vmem_shared>> -> memref<100096xf32, #tpu.memory_space<vmem_shared>>
        tpu.wait_indirect_dma semaphore(%arg21 : memref<!tpu.dma_semaphore, #tpu.memory_space<semaphore_mem>>) src(%dma_wait3A_191 : memref<100096xf32, #tpu.memory_space<vmem_shared>>) dst(%dma_wait3A_186 : memref<128xf32, #tpu.memory_space<vmem>>)
        %run_scoped3A_192 = arith.constant 0 : i32
        "tpu.region"() ({
          %run_scoped3A_268 = tpu.sem_alloc : memref<!tpu.dma_semaphore, #tpu.memory_space<semaphore_mem>>
          %dma_start3A_269 = arith.constant 0 : i32
          %dma_start3A_270 = tpu.memref_slice %arg13[%run_scoped3A_192, %dma_start3A_269] : memref<4x128xf32, #tpu.memory_space<vmem>> -> memref<1x128xf32, #tpu.memory_space<vmem>>
          %dma_start3A_271 = tpu.memref_squeeze %dma_start3A_270 : memref<1x128xf32, #tpu.memory_space<vmem>> -> memref<128xf32, #tpu.memory_space<vmem>>
          %dma_start3A_272 = arith.constant 0 : i32
          %dma_start3A_273 = tpu.memref_slice %arg10[%add3A_171, %dma_start3A_272] : memref<32x128xi32, #tpu.memory_space<vmem>> -> memref<1x128xi32, #tpu.memory_space<vmem>>
          %dma_start3A_274 = tpu.memref_squeeze %dma_start3A_273 : memref<1x128xi32, #tpu.memory_space<vmem>> -> memref<128xi32, #tpu.memory_space<vmem>>
          %dma_start3A_275 = arith.constant 0 : i32
          %dma_start3A_276 = tpu.memref_slice %arg15[%dma_start3A_275] : memref<100096xf32, #tpu.memory_space<vmem_shared>> -> memref<100096xf32, #tpu.memory_space<vmem_shared>>
          tpu.enqueue_indirect_dma source(%dma_start3A_271 : memref<128xf32, #tpu.memory_space<vmem>>) target(%dma_start3A_276 : memref<100096xf32, #tpu.memory_space<vmem_shared>>) offsets(%dma_start3A_274 : memref<128xi32, #tpu.memory_space<vmem>>) semaphore(%run_scoped3A_268 : memref<!tpu.dma_semaphore, #tpu.memory_space<semaphore_mem>>) {add = true}
          %dma_wait3A_277 = arith.constant 0 : i32
          %dma_wait3A_278 = tpu.memref_slice %arg13[%run_scoped3A_192, %dma_wait3A_277] : memref<4x128xf32, #tpu.memory_space<vmem>> -> memref<1x128xf32, #tpu.memory_space<vmem>>
          %dma_wait3A_279 = tpu.memref_squeeze %dma_wait3A_278 : memref<1x128xf32, #tpu.memory_space<vmem>> -> memref<128xf32, #tpu.memory_space<vmem>>
          %dma_wait3A_280 = arith.constant 0 : i32
          %dma_wait3A_281 = tpu.memref_slice %arg10[%add3A_171, %dma_wait3A_280] : memref<32x128xi32, #tpu.memory_space<vmem>> -> memref<1x128xi32, #tpu.memory_space<vmem>>
          %dma_wait3A_282 = tpu.memref_squeeze %dma_wait3A_281 : memref<1x128xi32, #tpu.memory_space<vmem>> -> memref<128xi32, #tpu.memory_space<vmem>>
          %dma_wait3A_283 = arith.constant 0 : i32
          %dma_wait3A_284 = tpu.memref_slice %arg15[%dma_wait3A_283] : memref<100096xf32, #tpu.memory_space<vmem_shared>> -> memref<100096xf32, #tpu.memory_space<vmem_shared>>
          tpu.wait_indirect_dma semaphore(%run_scoped3A_268 : memref<!tpu.dma_semaphore, #tpu.memory_space<semaphore_mem>>) src(%dma_wait3A_279 : memref<128xf32, #tpu.memory_space<vmem>>) dst(%dma_wait3A_284 : memref<100096xf32, #tpu.memory_space<vmem_shared>>)
          tpu.yield
        }) : () -> ()
        %add3A_193 = arith.addi %mul3A_44, %add3A_76 : i32
        %add3A_194 = arith.constant 1 : i32
        %add3A_195 = arith.addi %add3A_193, %add3A_194 : i32
        %dma_wait3A_196 = arith.constant 1 : i32
        %dma_wait3A_197 = arith.constant 0 : i32
        %dma_wait3A_198 = arith.constant 0 : i32
        %dma_wait3A_199 = tpu.memref_slice %arg12[%dma_wait3A_196, %dma_wait3A_197, %dma_wait3A_198] : memref<4x128x16xf32, #tpu.memory_space<vmem>> -> memref<1x128x16xf32, #tpu.memory_space<vmem>>
        %dma_wait3A_200 = tpu.memref_squeeze %dma_wait3A_199 : memref<1x128x16xf32, #tpu.memory_space<vmem>> -> memref<128x16xf32, #tpu.memory_space<vmem>>
        %dma_wait3A_201 = arith.constant 0 : i32
        %dma_wait3A_202 = tpu.memref_slice %arg10[%add3A_102, %dma_wait3A_201] : memref<32x128xi32, #tpu.memory_space<vmem>> -> memref<1x128xi32, #tpu.memory_space<vmem>>
        %dma_wait3A_203 = tpu.memref_squeeze %dma_wait3A_202 : memref<1x128xi32, #tpu.memory_space<vmem>> -> memref<128xi32, #tpu.memory_space<vmem>>
        %dma_wait3A_204 = arith.constant 0 : i32
        %dma_wait3A_205 = arith.constant 0 : i32
        %dma_wait3A_206 = tpu.memref_slice %arg4[%dma_wait3A_204, %dma_wait3A_205] : memref<100096x16xf32, #tpu.memory_space<hbm>> -> memref<100096x16xf32, #tpu.memory_space<hbm>>
        tpu.wait_indirect_dma semaphore(%arg18 : memref<!tpu.dma_semaphore, #tpu.memory_space<semaphore_mem>>) src(%dma_wait3A_206 : memref<100096x16xf32, #tpu.memory_space<hbm>>) dst(%dma_wait3A_200 : memref<128x16xf32, #tpu.memory_space<vmem>>)
        %run_scoped3A_207 = arith.constant 1 : i32
        "tpu.region"() ({
          %run_scoped3A_268 = tpu.sem_alloc : memref<!tpu.dma_semaphore, #tpu.memory_space<semaphore_mem>>
          %dma_start3A_269 = arith.constant 0 : i32
          %dma_start3A_270 = arith.constant 0 : i32
          %dma_start3A_271 = tpu.memref_slice %arg12[%run_scoped3A_207, %dma_start3A_269, %dma_start3A_270] : memref<4x128x16xf32, #tpu.memory_space<vmem>> -> memref<1x128x16xf32, #tpu.memory_space<vmem>>
          %dma_start3A_272 = tpu.memref_squeeze %dma_start3A_271 : memref<1x128x16xf32, #tpu.memory_space<vmem>> -> memref<128x16xf32, #tpu.memory_space<vmem>>
          %dma_start3A_273 = arith.constant 0 : i32
          %dma_start3A_274 = tpu.memref_slice %arg11[%add3A_195, %dma_start3A_273] : memref<32x128xi32, #tpu.memory_space<vmem>> -> memref<1x128xi32, #tpu.memory_space<vmem>>
          %dma_start3A_275 = tpu.memref_squeeze %dma_start3A_274 : memref<1x128xi32, #tpu.memory_space<vmem>> -> memref<128xi32, #tpu.memory_space<vmem>>
          %dma_start3A_276 = arith.constant 0 : i32
          %dma_start3A_277 = arith.constant 0 : i32
          %dma_start3A_278 = tpu.memref_slice %arg14[%dma_start3A_276, %dma_start3A_277] : memref<100096x16xf32, #tpu.memory_space<vmem_shared>> -> memref<100096x16xf32, #tpu.memory_space<vmem_shared>>
          tpu.enqueue_indirect_dma source(%dma_start3A_272 : memref<128x16xf32, #tpu.memory_space<vmem>>) target(%dma_start3A_278 : memref<100096x16xf32, #tpu.memory_space<vmem_shared>>) offsets(%dma_start3A_275 : memref<128xi32, #tpu.memory_space<vmem>>) semaphore(%run_scoped3A_268 : memref<!tpu.dma_semaphore, #tpu.memory_space<semaphore_mem>>) {add = true}
          %dma_wait3A_279 = arith.constant 0 : i32
          %dma_wait3A_280 = arith.constant 0 : i32
          %dma_wait3A_281 = tpu.memref_slice %arg12[%run_scoped3A_207, %dma_wait3A_279, %dma_wait3A_280] : memref<4x128x16xf32, #tpu.memory_space<vmem>> -> memref<1x128x16xf32, #tpu.memory_space<vmem>>
          %dma_wait3A_282 = tpu.memref_squeeze %dma_wait3A_281 : memref<1x128x16xf32, #tpu.memory_space<vmem>> -> memref<128x16xf32, #tpu.memory_space<vmem>>
          %dma_wait3A_283 = arith.constant 0 : i32
          %dma_wait3A_284 = tpu.memref_slice %arg11[%add3A_195, %dma_wait3A_283] : memref<32x128xi32, #tpu.memory_space<vmem>> -> memref<1x128xi32, #tpu.memory_space<vmem>>
          %dma_wait3A_285 = tpu.memref_squeeze %dma_wait3A_284 : memref<1x128xi32, #tpu.memory_space<vmem>> -> memref<128xi32, #tpu.memory_space<vmem>>
          %dma_wait3A_286 = arith.constant 0 : i32
          %dma_wait3A_287 = arith.constant 0 : i32
          %dma_wait3A_288 = tpu.memref_slice %arg14[%dma_wait3A_286, %dma_wait3A_287] : memref<100096x16xf32, #tpu.memory_space<vmem_shared>> -> memref<100096x16xf32, #tpu.memory_space<vmem_shared>>
          tpu.wait_indirect_dma semaphore(%run_scoped3A_268 : memref<!tpu.dma_semaphore, #tpu.memory_space<semaphore_mem>>) src(%dma_wait3A_282 : memref<128x16xf32, #tpu.memory_space<vmem>>) dst(%dma_wait3A_288 : memref<100096x16xf32, #tpu.memory_space<vmem_shared>>)
          tpu.yield
        }) : () -> ()
        %dma_wait3A_208 = arith.constant 1 : i32
        %dma_wait3A_209 = arith.constant 0 : i32
        %dma_wait3A_210 = tpu.memref_slice %arg13[%dma_wait3A_208, %dma_wait3A_209] : memref<4x128xf32, #tpu.memory_space<vmem>> -> memref<1x128xf32, #tpu.memory_space<vmem>>
        %dma_wait3A_211 = tpu.memref_squeeze %dma_wait3A_210 : memref<1x128xf32, #tpu.memory_space<vmem>> -> memref<128xf32, #tpu.memory_space<vmem>>
        %dma_wait3A_212 = arith.constant 0 : i32
        %dma_wait3A_213 = tpu.memref_slice %arg11[%add3A_102, %dma_wait3A_212] : memref<32x128xi32, #tpu.memory_space<vmem>> -> memref<1x128xi32, #tpu.memory_space<vmem>>
        %dma_wait3A_214 = tpu.memref_squeeze %dma_wait3A_213 : memref<1x128xi32, #tpu.memory_space<vmem>> -> memref<128xi32, #tpu.memory_space<vmem>>
        %dma_wait3A_215 = arith.constant 0 : i32
        %dma_wait3A_216 = tpu.memref_slice %arg16[%dma_wait3A_215] : memref<100096xf32, #tpu.memory_space<vmem_shared>> -> memref<100096xf32, #tpu.memory_space<vmem_shared>>
        tpu.wait_indirect_dma semaphore(%arg22 : memref<!tpu.dma_semaphore, #tpu.memory_space<semaphore_mem>>) src(%dma_wait3A_216 : memref<100096xf32, #tpu.memory_space<vmem_shared>>) dst(%dma_wait3A_211 : memref<128xf32, #tpu.memory_space<vmem>>)
        %run_scoped3A_217 = arith.constant 1 : i32
        "tpu.region"() ({
          %run_scoped3A_268 = tpu.sem_alloc : memref<!tpu.dma_semaphore, #tpu.memory_space<semaphore_mem>>
          %dma_start3A_269 = arith.constant 0 : i32
          %dma_start3A_270 = tpu.memref_slice %arg13[%run_scoped3A_217, %dma_start3A_269] : memref<4x128xf32, #tpu.memory_space<vmem>> -> memref<1x128xf32, #tpu.memory_space<vmem>>
          %dma_start3A_271 = tpu.memref_squeeze %dma_start3A_270 : memref<1x128xf32, #tpu.memory_space<vmem>> -> memref<128xf32, #tpu.memory_space<vmem>>
          %dma_start3A_272 = arith.constant 0 : i32
          %dma_start3A_273 = tpu.memref_slice %arg10[%add3A_195, %dma_start3A_272] : memref<32x128xi32, #tpu.memory_space<vmem>> -> memref<1x128xi32, #tpu.memory_space<vmem>>
          %dma_start3A_274 = tpu.memref_squeeze %dma_start3A_273 : memref<1x128xi32, #tpu.memory_space<vmem>> -> memref<128xi32, #tpu.memory_space<vmem>>
          %dma_start3A_275 = arith.constant 0 : i32
          %dma_start3A_276 = tpu.memref_slice %arg15[%dma_start3A_275] : memref<100096xf32, #tpu.memory_space<vmem_shared>> -> memref<100096xf32, #tpu.memory_space<vmem_shared>>
          tpu.enqueue_indirect_dma source(%dma_start3A_271 : memref<128xf32, #tpu.memory_space<vmem>>) target(%dma_start3A_276 : memref<100096xf32, #tpu.memory_space<vmem_shared>>) offsets(%dma_start3A_274 : memref<128xi32, #tpu.memory_space<vmem>>) semaphore(%run_scoped3A_268 : memref<!tpu.dma_semaphore, #tpu.memory_space<semaphore_mem>>) {add = true}
          %dma_wait3A_277 = arith.constant 0 : i32
          %dma_wait3A_278 = tpu.memref_slice %arg13[%run_scoped3A_217, %dma_wait3A_277] : memref<4x128xf32, #tpu.memory_space<vmem>> -> memref<1x128xf32, #tpu.memory_space<vmem>>
          %dma_wait3A_279 = tpu.memref_squeeze %dma_wait3A_278 : memref<1x128xf32, #tpu.memory_space<vmem>> -> memref<128xf32, #tpu.memory_space<vmem>>
          %dma_wait3A_280 = arith.constant 0 : i32
          %dma_wait3A_281 = tpu.memref_slice %arg10[%add3A_195, %dma_wait3A_280] : memref<32x128xi32, #tpu.memory_space<vmem>> -> memref<1x128xi32, #tpu.memory_space<vmem>>
          %dma_wait3A_282 = tpu.memref_squeeze %dma_wait3A_281 : memref<1x128xi32, #tpu.memory_space<vmem>> -> memref<128xi32, #tpu.memory_space<vmem>>
          %dma_wait3A_283 = arith.constant 0 : i32
          %dma_wait3A_284 = tpu.memref_slice %arg15[%dma_wait3A_283] : memref<100096xf32, #tpu.memory_space<vmem_shared>> -> memref<100096xf32, #tpu.memory_space<vmem_shared>>
          tpu.wait_indirect_dma semaphore(%run_scoped3A_268 : memref<!tpu.dma_semaphore, #tpu.memory_space<semaphore_mem>>) src(%dma_wait3A_279 : memref<128xf32, #tpu.memory_space<vmem>>) dst(%dma_wait3A_284 : memref<100096xf32, #tpu.memory_space<vmem_shared>>)
          tpu.yield
        }) : () -> ()
        %add3A_218 = arith.addi %mul3A_44, %add3A_76 : i32
        %add3A_219 = arith.constant 2 : i32
        %add3A_220 = arith.addi %add3A_218, %add3A_219 : i32
        %dma_wait3A_221 = arith.constant 2 : i32
        %dma_wait3A_222 = arith.constant 0 : i32
        %dma_wait3A_223 = arith.constant 0 : i32
        %dma_wait3A_224 = tpu.memref_slice %arg12[%dma_wait3A_221, %dma_wait3A_222, %dma_wait3A_223] : memref<4x128x16xf32, #tpu.memory_space<vmem>> -> memref<1x128x16xf32, #tpu.memory_space<vmem>>
        %dma_wait3A_225 = tpu.memref_squeeze %dma_wait3A_224 : memref<1x128x16xf32, #tpu.memory_space<vmem>> -> memref<128x16xf32, #tpu.memory_space<vmem>>
        %dma_wait3A_226 = arith.constant 0 : i32
        %dma_wait3A_227 = tpu.memref_slice %arg10[%add3A_125, %dma_wait3A_226] : memref<32x128xi32, #tpu.memory_space<vmem>> -> memref<1x128xi32, #tpu.memory_space<vmem>>
        %dma_wait3A_228 = tpu.memref_squeeze %dma_wait3A_227 : memref<1x128xi32, #tpu.memory_space<vmem>> -> memref<128xi32, #tpu.memory_space<vmem>>
        %dma_wait3A_229 = arith.constant 0 : i32
        %dma_wait3A_230 = arith.constant 0 : i32
        %dma_wait3A_231 = tpu.memref_slice %arg4[%dma_wait3A_229, %dma_wait3A_230] : memref<100096x16xf32, #tpu.memory_space<hbm>> -> memref<100096x16xf32, #tpu.memory_space<hbm>>
        tpu.wait_indirect_dma semaphore(%arg19 : memref<!tpu.dma_semaphore, #tpu.memory_space<semaphore_mem>>) src(%dma_wait3A_231 : memref<100096x16xf32, #tpu.memory_space<hbm>>) dst(%dma_wait3A_225 : memref<128x16xf32, #tpu.memory_space<vmem>>)
        %run_scoped3A_232 = arith.constant 2 : i32
        "tpu.region"() ({
          %run_scoped3A_268 = tpu.sem_alloc : memref<!tpu.dma_semaphore, #tpu.memory_space<semaphore_mem>>
          %dma_start3A_269 = arith.constant 0 : i32
          %dma_start3A_270 = arith.constant 0 : i32
          %dma_start3A_271 = tpu.memref_slice %arg12[%run_scoped3A_232, %dma_start3A_269, %dma_start3A_270] : memref<4x128x16xf32, #tpu.memory_space<vmem>> -> memref<1x128x16xf32, #tpu.memory_space<vmem>>
          %dma_start3A_272 = tpu.memref_squeeze %dma_start3A_271 : memref<1x128x16xf32, #tpu.memory_space<vmem>> -> memref<128x16xf32, #tpu.memory_space<vmem>>
          %dma_start3A_273 = arith.constant 0 : i32
          %dma_start3A_274 = tpu.memref_slice %arg11[%add3A_220, %dma_start3A_273] : memref<32x128xi32, #tpu.memory_space<vmem>> -> memref<1x128xi32, #tpu.memory_space<vmem>>
          %dma_start3A_275 = tpu.memref_squeeze %dma_start3A_274 : memref<1x128xi32, #tpu.memory_space<vmem>> -> memref<128xi32, #tpu.memory_space<vmem>>
          %dma_start3A_276 = arith.constant 0 : i32
          %dma_start3A_277 = arith.constant 0 : i32
          %dma_start3A_278 = tpu.memref_slice %arg14[%dma_start3A_276, %dma_start3A_277] : memref<100096x16xf32, #tpu.memory_space<vmem_shared>> -> memref<100096x16xf32, #tpu.memory_space<vmem_shared>>
          tpu.enqueue_indirect_dma source(%dma_start3A_272 : memref<128x16xf32, #tpu.memory_space<vmem>>) target(%dma_start3A_278 : memref<100096x16xf32, #tpu.memory_space<vmem_shared>>) offsets(%dma_start3A_275 : memref<128xi32, #tpu.memory_space<vmem>>) semaphore(%run_scoped3A_268 : memref<!tpu.dma_semaphore, #tpu.memory_space<semaphore_mem>>) {add = true}
          %dma_wait3A_279 = arith.constant 0 : i32
          %dma_wait3A_280 = arith.constant 0 : i32
          %dma_wait3A_281 = tpu.memref_slice %arg12[%run_scoped3A_232, %dma_wait3A_279, %dma_wait3A_280] : memref<4x128x16xf32, #tpu.memory_space<vmem>> -> memref<1x128x16xf32, #tpu.memory_space<vmem>>
          %dma_wait3A_282 = tpu.memref_squeeze %dma_wait3A_281 : memref<1x128x16xf32, #tpu.memory_space<vmem>> -> memref<128x16xf32, #tpu.memory_space<vmem>>
          %dma_wait3A_283 = arith.constant 0 : i32
          %dma_wait3A_284 = tpu.memref_slice %arg11[%add3A_220, %dma_wait3A_283] : memref<32x128xi32, #tpu.memory_space<vmem>> -> memref<1x128xi32, #tpu.memory_space<vmem>>
          %dma_wait3A_285 = tpu.memref_squeeze %dma_wait3A_284 : memref<1x128xi32, #tpu.memory_space<vmem>> -> memref<128xi32, #tpu.memory_space<vmem>>
          %dma_wait3A_286 = arith.constant 0 : i32
          %dma_wait3A_287 = arith.constant 0 : i32
          %dma_wait3A_288 = tpu.memref_slice %arg14[%dma_wait3A_286, %dma_wait3A_287] : memref<100096x16xf32, #tpu.memory_space<vmem_shared>> -> memref<100096x16xf32, #tpu.memory_space<vmem_shared>>
          tpu.wait_indirect_dma semaphore(%run_scoped3A_268 : memref<!tpu.dma_semaphore, #tpu.memory_space<semaphore_mem>>) src(%dma_wait3A_282 : memref<128x16xf32, #tpu.memory_space<vmem>>) dst(%dma_wait3A_288 : memref<100096x16xf32, #tpu.memory_space<vmem_shared>>)
          tpu.yield
        }) : () -> ()
        %dma_wait3A_233 = arith.constant 2 : i32
        %dma_wait3A_234 = arith.constant 0 : i32
        %dma_wait3A_235 = tpu.memref_slice %arg13[%dma_wait3A_233, %dma_wait3A_234] : memref<4x128xf32, #tpu.memory_space<vmem>> -> memref<1x128xf32, #tpu.memory_space<vmem>>
        %dma_wait3A_236 = tpu.memref_squeeze %dma_wait3A_235 : memref<1x128xf32, #tpu.memory_space<vmem>> -> memref<128xf32, #tpu.memory_space<vmem>>
        %dma_wait3A_237 = arith.constant 0 : i32
        %dma_wait3A_238 = tpu.memref_slice %arg11[%add3A_125, %dma_wait3A_237] : memref<32x128xi32, #tpu.memory_space<vmem>> -> memref<1x128xi32, #tpu.memory_space<vmem>>
        %dma_wait3A_239 = tpu.memref_squeeze %dma_wait3A_238 : memref<1x128xi32, #tpu.memory_space<vmem>> -> memref<128xi32, #tpu.memory_space<vmem>>
        %dma_wait3A_240 = arith.constant 0 : i32
        %dma_wait3A_241 = tpu.memref_slice %arg16[%dma_wait3A_240] : memref<100096xf32, #tpu.memory_space<vmem_shared>> -> memref<100096xf32, #tpu.memory_space<vmem_shared>>
        tpu.wait_indirect_dma semaphore(%arg23 : memref<!tpu.dma_semaphore, #tpu.memory_space<semaphore_mem>>) src(%dma_wait3A_241 : memref<100096xf32, #tpu.memory_space<vmem_shared>>) dst(%dma_wait3A_236 : memref<128xf32, #tpu.memory_space<vmem>>)
        %run_scoped3A_242 = arith.constant 2 : i32
        "tpu.region"() ({
          %run_scoped3A_268 = tpu.sem_alloc : memref<!tpu.dma_semaphore, #tpu.memory_space<semaphore_mem>>
          %dma_start3A_269 = arith.constant 0 : i32
          %dma_start3A_270 = tpu.memref_slice %arg13[%run_scoped3A_242, %dma_start3A_269] : memref<4x128xf32, #tpu.memory_space<vmem>> -> memref<1x128xf32, #tpu.memory_space<vmem>>
          %dma_start3A_271 = tpu.memref_squeeze %dma_start3A_270 : memref<1x128xf32, #tpu.memory_space<vmem>> -> memref<128xf32, #tpu.memory_space<vmem>>
          %dma_start3A_272 = arith.constant 0 : i32
          %dma_start3A_273 = tpu.memref_slice %arg10[%add3A_220, %dma_start3A_272] : memref<32x128xi32, #tpu.memory_space<vmem>> -> memref<1x128xi32, #tpu.memory_space<vmem>>
          %dma_start3A_274 = tpu.memref_squeeze %dma_start3A_273 : memref<1x128xi32, #tpu.memory_space<vmem>> -> memref<128xi32, #tpu.memory_space<vmem>>
          %dma_start3A_275 = arith.constant 0 : i32
          %dma_start3A_276 = tpu.memref_slice %arg15[%dma_start3A_275] : memref<100096xf32, #tpu.memory_space<vmem_shared>> -> memref<100096xf32, #tpu.memory_space<vmem_shared>>
          tpu.enqueue_indirect_dma source(%dma_start3A_271 : memref<128xf32, #tpu.memory_space<vmem>>) target(%dma_start3A_276 : memref<100096xf32, #tpu.memory_space<vmem_shared>>) offsets(%dma_start3A_274 : memref<128xi32, #tpu.memory_space<vmem>>) semaphore(%run_scoped3A_268 : memref<!tpu.dma_semaphore, #tpu.memory_space<semaphore_mem>>) {add = true}
          %dma_wait3A_277 = arith.constant 0 : i32
          %dma_wait3A_278 = tpu.memref_slice %arg13[%run_scoped3A_242, %dma_wait3A_277] : memref<4x128xf32, #tpu.memory_space<vmem>> -> memref<1x128xf32, #tpu.memory_space<vmem>>
          %dma_wait3A_279 = tpu.memref_squeeze %dma_wait3A_278 : memref<1x128xf32, #tpu.memory_space<vmem>> -> memref<128xf32, #tpu.memory_space<vmem>>
          %dma_wait3A_280 = arith.constant 0 : i32
          %dma_wait3A_281 = tpu.memref_slice %arg10[%add3A_220, %dma_wait3A_280] : memref<32x128xi32, #tpu.memory_space<vmem>> -> memref<1x128xi32, #tpu.memory_space<vmem>>
          %dma_wait3A_282 = tpu.memref_squeeze %dma_wait3A_281 : memref<1x128xi32, #tpu.memory_space<vmem>> -> memref<128xi32, #tpu.memory_space<vmem>>
          %dma_wait3A_283 = arith.constant 0 : i32
          %dma_wait3A_284 = tpu.memref_slice %arg15[%dma_wait3A_283] : memref<100096xf32, #tpu.memory_space<vmem_shared>> -> memref<100096xf32, #tpu.memory_space<vmem_shared>>
          tpu.wait_indirect_dma semaphore(%run_scoped3A_268 : memref<!tpu.dma_semaphore, #tpu.memory_space<semaphore_mem>>) src(%dma_wait3A_279 : memref<128xf32, #tpu.memory_space<vmem>>) dst(%dma_wait3A_284 : memref<100096xf32, #tpu.memory_space<vmem_shared>>)
          tpu.yield
        }) : () -> ()
        %add3A_243 = arith.addi %mul3A_44, %add3A_76 : i32
        %add3A_244 = arith.constant 3 : i32
        %add3A_245 = arith.addi %add3A_243, %add3A_244 : i32
        %dma_wait3A_246 = arith.constant 3 : i32
        %dma_wait3A_247 = arith.constant 0 : i32
        %dma_wait3A_248 = arith.constant 0 : i32
        %dma_wait3A_249 = tpu.memref_slice %arg12[%dma_wait3A_246, %dma_wait3A_247, %dma_wait3A_248] : memref<4x128x16xf32, #tpu.memory_space<vmem>> -> memref<1x128x16xf32, #tpu.memory_space<vmem>>
        %dma_wait3A_250 = tpu.memref_squeeze %dma_wait3A_249 : memref<1x128x16xf32, #tpu.memory_space<vmem>> -> memref<128x16xf32, #tpu.memory_space<vmem>>
        %dma_wait3A_251 = arith.constant 0 : i32
        %dma_wait3A_252 = tpu.memref_slice %arg10[%add3A_148, %dma_wait3A_251] : memref<32x128xi32, #tpu.memory_space<vmem>> -> memref<1x128xi32, #tpu.memory_space<vmem>>
        %dma_wait3A_253 = tpu.memref_squeeze %dma_wait3A_252 : memref<1x128xi32, #tpu.memory_space<vmem>> -> memref<128xi32, #tpu.memory_space<vmem>>
        %dma_wait3A_254 = arith.constant 0 : i32
        %dma_wait3A_255 = arith.constant 0 : i32
        %dma_wait3A_256 = tpu.memref_slice %arg4[%dma_wait3A_254, %dma_wait3A_255] : memref<100096x16xf32, #tpu.memory_space<hbm>> -> memref<100096x16xf32, #tpu.memory_space<hbm>>
        tpu.wait_indirect_dma semaphore(%arg20 : memref<!tpu.dma_semaphore, #tpu.memory_space<semaphore_mem>>) src(%dma_wait3A_256 : memref<100096x16xf32, #tpu.memory_space<hbm>>) dst(%dma_wait3A_250 : memref<128x16xf32, #tpu.memory_space<vmem>>)
        %run_scoped3A_257 = arith.constant 3 : i32
        "tpu.region"() ({
          %run_scoped3A_268 = tpu.sem_alloc : memref<!tpu.dma_semaphore, #tpu.memory_space<semaphore_mem>>
          %dma_start3A_269 = arith.constant 0 : i32
          %dma_start3A_270 = arith.constant 0 : i32
          %dma_start3A_271 = tpu.memref_slice %arg12[%run_scoped3A_257, %dma_start3A_269, %dma_start3A_270] : memref<4x128x16xf32, #tpu.memory_space<vmem>> -> memref<1x128x16xf32, #tpu.memory_space<vmem>>
          %dma_start3A_272 = tpu.memref_squeeze %dma_start3A_271 : memref<1x128x16xf32, #tpu.memory_space<vmem>> -> memref<128x16xf32, #tpu.memory_space<vmem>>
          %dma_start3A_273 = arith.constant 0 : i32
          %dma_start3A_274 = tpu.memref_slice %arg11[%add3A_245, %dma_start3A_273] : memref<32x128xi32, #tpu.memory_space<vmem>> -> memref<1x128xi32, #tpu.memory_space<vmem>>
          %dma_start3A_275 = tpu.memref_squeeze %dma_start3A_274 : memref<1x128xi32, #tpu.memory_space<vmem>> -> memref<128xi32, #tpu.memory_space<vmem>>
          %dma_start3A_276 = arith.constant 0 : i32
          %dma_start3A_277 = arith.constant 0 : i32
          %dma_start3A_278 = tpu.memref_slice %arg14[%dma_start3A_276, %dma_start3A_277] : memref<100096x16xf32, #tpu.memory_space<vmem_shared>> -> memref<100096x16xf32, #tpu.memory_space<vmem_shared>>
          tpu.enqueue_indirect_dma source(%dma_start3A_272 : memref<128x16xf32, #tpu.memory_space<vmem>>) target(%dma_start3A_278 : memref<100096x16xf32, #tpu.memory_space<vmem_shared>>) offsets(%dma_start3A_275 : memref<128xi32, #tpu.memory_space<vmem>>) semaphore(%run_scoped3A_268 : memref<!tpu.dma_semaphore, #tpu.memory_space<semaphore_mem>>) {add = true}
          %dma_wait3A_279 = arith.constant 0 : i32
          %dma_wait3A_280 = arith.constant 0 : i32
          %dma_wait3A_281 = tpu.memref_slice %arg12[%run_scoped3A_257, %dma_wait3A_279, %dma_wait3A_280] : memref<4x128x16xf32, #tpu.memory_space<vmem>> -> memref<1x128x16xf32, #tpu.memory_space<vmem>>
          %dma_wait3A_282 = tpu.memref_squeeze %dma_wait3A_281 : memref<1x128x16xf32, #tpu.memory_space<vmem>> -> memref<128x16xf32, #tpu.memory_space<vmem>>
          %dma_wait3A_283 = arith.constant 0 : i32
          %dma_wait3A_284 = tpu.memref_slice %arg11[%add3A_245, %dma_wait3A_283] : memref<32x128xi32, #tpu.memory_space<vmem>> -> memref<1x128xi32, #tpu.memory_space<vmem>>
          %dma_wait3A_285 = tpu.memref_squeeze %dma_wait3A_284 : memref<1x128xi32, #tpu.memory_space<vmem>> -> memref<128xi32, #tpu.memory_space<vmem>>
          %dma_wait3A_286 = arith.constant 0 : i32
          %dma_wait3A_287 = arith.constant 0 : i32
          %dma_wait3A_288 = tpu.memref_slice %arg14[%dma_wait3A_286, %dma_wait3A_287] : memref<100096x16xf32, #tpu.memory_space<vmem_shared>> -> memref<100096x16xf32, #tpu.memory_space<vmem_shared>>
          tpu.wait_indirect_dma semaphore(%run_scoped3A_268 : memref<!tpu.dma_semaphore, #tpu.memory_space<semaphore_mem>>) src(%dma_wait3A_282 : memref<128x16xf32, #tpu.memory_space<vmem>>) dst(%dma_wait3A_288 : memref<100096x16xf32, #tpu.memory_space<vmem_shared>>)
          tpu.yield
        }) : () -> ()
        %dma_wait3A_258 = arith.constant 3 : i32
        %dma_wait3A_259 = arith.constant 0 : i32
        %dma_wait3A_260 = tpu.memref_slice %arg13[%dma_wait3A_258, %dma_wait3A_259] : memref<4x128xf32, #tpu.memory_space<vmem>> -> memref<1x128xf32, #tpu.memory_space<vmem>>
        %dma_wait3A_261 = tpu.memref_squeeze %dma_wait3A_260 : memref<1x128xf32, #tpu.memory_space<vmem>> -> memref<128xf32, #tpu.memory_space<vmem>>
        %dma_wait3A_262 = arith.constant 0 : i32
        %dma_wait3A_263 = tpu.memref_slice %arg11[%add3A_148, %dma_wait3A_262] : memref<32x128xi32, #tpu.memory_space<vmem>> -> memref<1x128xi32, #tpu.memory_space<vmem>>
        %dma_wait3A_264 = tpu.memref_squeeze %dma_wait3A_263 : memref<1x128xi32, #tpu.memory_space<vmem>> -> memref<128xi32, #tpu.memory_space<vmem>>
        %dma_wait3A_265 = arith.constant 0 : i32
        %dma_wait3A_266 = tpu.memref_slice %arg16[%dma_wait3A_265] : memref<100096xf32, #tpu.memory_space<vmem_shared>> -> memref<100096xf32, #tpu.memory_space<vmem_shared>>
        tpu.wait_indirect_dma semaphore(%arg24 : memref<!tpu.dma_semaphore, #tpu.memory_space<semaphore_mem>>) src(%dma_wait3A_266 : memref<100096xf32, #tpu.memory_space<vmem_shared>>) dst(%dma_wait3A_261 : memref<128xf32, #tpu.memory_space<vmem>>)
        %run_scoped3A_267 = arith.constant 3 : i32
        "tpu.region"() ({
          %run_scoped3A_268 = tpu.sem_alloc : memref<!tpu.dma_semaphore, #tpu.memory_space<semaphore_mem>>
          %dma_start3A_269 = arith.constant 0 : i32
          %dma_start3A_270 = tpu.memref_slice %arg13[%run_scoped3A_267, %dma_start3A_269] : memref<4x128xf32, #tpu.memory_space<vmem>> -> memref<1x128xf32, #tpu.memory_space<vmem>>
          %dma_start3A_271 = tpu.memref_squeeze %dma_start3A_270 : memref<1x128xf32, #tpu.memory_space<vmem>> -> memref<128xf32, #tpu.memory_space<vmem>>
          %dma_start3A_272 = arith.constant 0 : i32
          %dma_start3A_273 = tpu.memref_slice %arg10[%add3A_245, %dma_start3A_272] : memref<32x128xi32, #tpu.memory_space<vmem>> -> memref<1x128xi32, #tpu.memory_space<vmem>>
          %dma_start3A_274 = tpu.memref_squeeze %dma_start3A_273 : memref<1x128xi32, #tpu.memory_space<vmem>> -> memref<128xi32, #tpu.memory_space<vmem>>
          %dma_start3A_275 = arith.constant 0 : i32
          %dma_start3A_276 = tpu.memref_slice %arg15[%dma_start3A_275] : memref<100096xf32, #tpu.memory_space<vmem_shared>> -> memref<100096xf32, #tpu.memory_space<vmem_shared>>
          tpu.enqueue_indirect_dma source(%dma_start3A_271 : memref<128xf32, #tpu.memory_space<vmem>>) target(%dma_start3A_276 : memref<100096xf32, #tpu.memory_space<vmem_shared>>) offsets(%dma_start3A_274 : memref<128xi32, #tpu.memory_space<vmem>>) semaphore(%run_scoped3A_268 : memref<!tpu.dma_semaphore, #tpu.memory_space<semaphore_mem>>) {add = true}
          %dma_wait3A_277 = arith.constant 0 : i32
          %dma_wait3A_278 = tpu.memref_slice %arg13[%run_scoped3A_267, %dma_wait3A_277] : memref<4x128xf32, #tpu.memory_space<vmem>> -> memref<1x128xf32, #tpu.memory_space<vmem>>
          %dma_wait3A_279 = tpu.memref_squeeze %dma_wait3A_278 : memref<1x128xf32, #tpu.memory_space<vmem>> -> memref<128xf32, #tpu.memory_space<vmem>>
          %dma_wait3A_280 = arith.constant 0 : i32
          %dma_wait3A_281 = tpu.memref_slice %arg10[%add3A_245, %dma_wait3A_280] : memref<32x128xi32, #tpu.memory_space<vmem>> -> memref<1x128xi32, #tpu.memory_space<vmem>>
          %dma_wait3A_282 = tpu.memref_squeeze %dma_wait3A_281 : memref<1x128xi32, #tpu.memory_space<vmem>> -> memref<128xi32, #tpu.memory_space<vmem>>
          %dma_wait3A_283 = arith.constant 0 : i32
          %dma_wait3A_284 = tpu.memref_slice %arg15[%dma_wait3A_283] : memref<100096xf32, #tpu.memory_space<vmem_shared>> -> memref<100096xf32, #tpu.memory_space<vmem_shared>>
          tpu.wait_indirect_dma semaphore(%run_scoped3A_268 : memref<!tpu.dma_semaphore, #tpu.memory_space<semaphore_mem>>) src(%dma_wait3A_279 : memref<128xf32, #tpu.memory_space<vmem>>) dst(%dma_wait3A_284 : memref<100096xf32, #tpu.memory_space<vmem_shared>>)
          tpu.yield
        }) : () -> ()
      }
      %scan3A_71 = arith.constant 4 : i32
    }
    %scan3A_29 = arith.constant 25 : i32
    %barrier3A_30 = arith.constant 0 : index
    tpu.barrier barrier_id(%barrier3A_30)
    %mul3A_31 = arith.constant 100096 : i32
    %mul3A_32 = arith.muli %arg0, %mul3A_31 : i32
    %add3A_33 = arith.addi %mul3A_32, %mul3A_2 : i32
    "tpu.region"() ({
      %run_scoped3A = tpu.sem_alloc : memref<!tpu.dma_semaphore, #tpu.memory_space<semaphore_mem>>
      %dma_start3A_37 = arith.constant 0 : i32
      %dma_start3A_38 = tpu.memref_slice %arg8[%add3A_33, %dma_start3A_37] : memref<200192x16xf32, #tpu.memory_space<hbm>> -> memref<6256x16xf32, #tpu.memory_space<hbm>>
      %dma_start3A_39 = arith.constant 0 : i32
      %dma_start3A_40 = tpu.memref_slice %arg14[%mul3A_2, %dma_start3A_39] : memref<100096x16xf32, #tpu.memory_space<vmem_shared>> -> memref<6256x16xf32, #tpu.memory_space<vmem_shared>>
      tpu.enqueue_dma source(%dma_start3A_40 : memref<6256x16xf32, #tpu.memory_space<vmem_shared>>) target(%dma_start3A_38 : memref<6256x16xf32, #tpu.memory_space<hbm>>) target_semaphore(%run_scoped3A : memref<!tpu.dma_semaphore, #tpu.memory_space<semaphore_mem>>)
      %dma_wait3A = arith.constant 0 : i32
      %dma_wait3A_41 = tpu.memref_slice %arg8[%add3A_33, %dma_wait3A] : memref<200192x16xf32, #tpu.memory_space<hbm>> -> memref<6256x16xf32, #tpu.memory_space<hbm>>
      %dma_wait3A_42 = arith.constant 0 : i32
      %dma_wait3A_43 = tpu.memref_slice %arg14[%mul3A_2, %dma_wait3A_42] : memref<100096x16xf32, #tpu.memory_space<vmem_shared>> -> memref<6256x16xf32, #tpu.memory_space<vmem_shared>>
      tpu.wait_dma2 semaphore(%run_scoped3A : memref<!tpu.dma_semaphore, #tpu.memory_space<semaphore_mem>>) src(%dma_wait3A_43 : memref<6256x16xf32, #tpu.memory_space<vmem_shared>>) dst(%dma_wait3A_41 : memref<6256x16xf32, #tpu.memory_space<hbm>>)
      tpu.yield
    }) : () -> ()
    %mul3A_34 = arith.constant 100096 : i32
    %mul3A_35 = arith.muli %arg0, %mul3A_34 : i32
    %add3A_36 = arith.addi %mul3A_35, %mul3A_2 : i32
    "tpu.region"() ({
      %run_scoped3A = tpu.sem_alloc : memref<!tpu.dma_semaphore, #tpu.memory_space<semaphore_mem>>
      %dma_start3A_37 = tpu.memref_slice %arg9[%add3A_36] : memref<200192xf32, #tpu.memory_space<hbm>> -> memref<6256xf32, #tpu.memory_space<hbm>>
      %dma_start3A_38 = tpu.memref_slice %arg15[%mul3A_2] : memref<100096xf32, #tpu.memory_space<vmem_shared>> -> memref<6256xf32, #tpu.memory_space<vmem_shared>>
      tpu.enqueue_dma source(%dma_start3A_38 : memref<6256xf32, #tpu.memory_space<vmem_shared>>) target(%dma_start3A_37 : memref<6256xf32, #tpu.memory_space<hbm>>) target_semaphore(%run_scoped3A : memref<!tpu.dma_semaphore, #tpu.memory_space<semaphore_mem>>)
      %dma_wait3A = tpu.memref_slice %arg9[%add3A_36] : memref<200192xf32, #tpu.memory_space<hbm>> -> memref<6256xf32, #tpu.memory_space<hbm>>
      %dma_wait3A_39 = tpu.memref_slice %arg15[%mul3A_2] : memref<100096xf32, #tpu.memory_space<vmem_shared>> -> memref<6256xf32, #tpu.memory_space<vmem_shared>>
      tpu.wait_dma2 semaphore(%run_scoped3A : memref<!tpu.dma_semaphore, #tpu.memory_space<semaphore_mem>>) src(%dma_wait3A_39 : memref<6256xf32, #tpu.memory_space<vmem_shared>>) dst(%dma_wait3A : memref<6256xf32, #tpu.memory_space<hbm>>)
      tpu.yield
    }) : () -> ()
    return
  }
}

module attributes {stable_mosaic.version = 14 : i64} {
  func.func @body(%arg0: i32, %arg1: memref<1000x128xf32, #tpu.memory_space<vmem>>, %arg2: memref<128x16xf32, #tpu.memory_space<vmem>>, %arg3: memref<1000x16xf32, #tpu.memory_space<vmem>>) attributes {dimension_semantics = [#tpu.dimension_semantics<arbitrary>], iteration_bounds = array<i64: 100>, scalar_prefetch = 0 : i64, scratch_operands = 0 : i64, tpu.core_type = #tpu.core_type<tc>, window_params = [{transform_indices = @transform_0, window_bounds = array<i64: 1000, 128>}, {pipeline_mode = #tpu.pipeline_mode<synchronous>, transform_indices = @transform_1, window_bounds = array<i64: 128, 16>}, {transform_indices = @transform_2, window_bounds = array<i64: 1000, 16>}]} {
    %get3A = arith.constant 0 : index
    %get3A_0 = arith.constant 0 : index
    %get3A_1 = vector.load %arg1[%get3A, %get3A_0] : memref<1000x128xf32, #tpu.memory_space<vmem>>, vector<1000x128xf32>
    %get3A_2 = arith.constant 0 : index
    %get3A_3 = arith.constant 0 : index
    %get3A_4 = vector.load %arg2[%get3A_2, %get3A_3] : memref<128x16xf32, #tpu.memory_space<vmem>>, vector<128x16xf32>
    %dot_general3A = arith.constant dense<0.000000e+00> : vector<1000x16xf32>
    %dot_general3A_5 = tpu.matmul %get3A_1, %get3A_4, %dot_general3A {dimension_numbers = #tpu.dot_dimension_numbers<[1], [0], [0], [1], [0, 0, 1, 1], [], []>, transpose_lhs_hint = false} : vector<1000x128xf32>, vector<128x16xf32>, vector<1000x16xf32> -> vector<1000x16xf32>
    %swap3A = arith.constant 0 : index
    %swap3A_6 = arith.constant 0 : index
    %swap3A_7 = vector.load %arg3[%swap3A, %swap3A_6] : memref<1000x16xf32, #tpu.memory_space<vmem>>, vector<1000x16xf32>
    tpu.vector_store %arg3[%swap3A, %swap3A_6], %dot_general3A_5 {strides = array<i32>} : memref<1000x16xf32, #tpu.memory_space<vmem>>, vector<1000x16xf32>,
    return
  }
  func.func @transform_0(%arg0: i32) -> (i32, i32) {
    %c0_i32 = arith.constant 0 : i32
    %c0_i32_0 = arith.constant 0 : i32
    return %arg0, %c0_i32 : i32, i32
  }
  func.func @transform_1(%arg0: i32) -> (i32, i32) {
    %c0_i32 = arith.constant 0 : i32
    %c0_i32_0 = arith.constant 0 : i32
    %c0_i32_1 = arith.constant 0 : i32
    return %c0_i32, %c0_i32_0 : i32, i32
  }
  func.func @transform_2(%arg0: i32) -> (i32, i32) {
    %c0_i32 = arith.constant 0 : i32
    %c0_i32_0 = arith.constant 0 : i32
    return %arg0, %c0_i32 : i32, i32
  }
}

module attributes {stable_mosaic.version = 14 : i64} {
  func.func @body(%arg0: i32, %arg1: memref<2x1000x1xf32, #tpu.memory_space<vmem>>, %arg2: memref<1000x16xf32, #tpu.memory_space<vmem>>, %arg3: memref<1000x1xf32, #tpu.memory_space<vmem>>, %arg4: memref<1000x16xf32, #tpu.memory_space<vmem>>) attributes {dimension_semantics = [#tpu.dimension_semantics<arbitrary>], iteration_bounds = array<i64: 100>, scalar_prefetch = 0 : i64, scratch_operands = 0 : i64, tpu.core_type = #tpu.core_type<tc>, window_params = [{transform_indices = @transform_0, window_bounds = array<i64: 2, 1000, 1>}, {transform_indices = @transform_1, window_bounds = array<i64: 1000, 16>}, {transform_indices = @transform_2, window_bounds = array<i64: 1000, 1>}, {transform_indices = @transform_3, window_bounds = array<i64: 1000, 16>}]} {
    %get3A = arith.constant 0 : index
    %get3A_0 = arith.constant 0 : index
    %get3A_1 = arith.constant 0 : index
    %get3A_2 = vector.load %arg1[%get3A, %get3A_0, %get3A_1] : memref<2x1000x1xf32, #tpu.memory_space<vmem>>, vector<1x1000x1xf32>
    %get3A_3 = vector.shape_cast %get3A_2 : vector<1x1000x1xf32> to vector<1000x1xf32>
    %get3A_4 = arith.constant 1 : index
    %get3A_5 = arith.constant 0 : index
    %get3A_6 = arith.constant 0 : index
    %get3A_7 = vector.load %arg1[%get3A_4, %get3A_5, %get3A_6] : memref<2x1000x1xf32, #tpu.memory_space<vmem>>, vector<1x1000x1xf32>
    %get3A_8 = vector.shape_cast %get3A_7 : vector<1x1000x1xf32> to vector<1000x1xf32>
    %add3A = arith.addf %get3A_3, %get3A_8 : vector<1000x1xf32>
    %add3A_9 = arith.constant 1.000000e+00 : f32
    %add3A_10 = vector.broadcast %add3A_9 : f32 to vector<1000x1xf32>
    %add3A_11 = arith.addf %add3A, %add3A_10 : vector<1000x1xf32>
    %rsqrt3A = math.rsqrt %add3A_11 : vector<1000x1xf32>
    %swap3A = arith.constant 0 : index
    %swap3A_12 = arith.constant 0 : index
    %swap3A_13 = vector.load %arg3[%swap3A, %swap3A_12] : memref<1000x1xf32, #tpu.memory_space<vmem>>, vector<1000x1xf32>
    tpu.vector_store %arg3[%swap3A, %swap3A_12], %rsqrt3A {strides = array<i32>} : memref<1000x1xf32, #tpu.memory_space<vmem>>, vector<1000x1xf32>,
    %get3A_14 = arith.constant 0 : index
    %get3A_15 = arith.constant 0 : index
    %get3A_16 = vector.load %arg2[%get3A_14, %get3A_15] : memref<1000x16xf32, #tpu.memory_space<vmem>>, vector<1000x16xf32>
    %mul3A = vector.broadcast %rsqrt3A : vector<1000x1xf32> to vector<1000x16xf32>
    %mul3A_17 = arith.mulf %get3A_16, %mul3A : vector<1000x16xf32>
    %swap3A_18 = arith.constant 0 : index
    %swap3A_19 = arith.constant 0 : index
    %swap3A_20 = vector.load %arg4[%swap3A_18, %swap3A_19] : memref<1000x16xf32, #tpu.memory_space<vmem>>, vector<1000x16xf32>
    tpu.vector_store %arg4[%swap3A_18, %swap3A_19], %mul3A_17 {strides = array<i32>} : memref<1000x16xf32, #tpu.memory_space<vmem>>, vector<1000x16xf32>,
    return
  }
  func.func @transform_0(%arg0: i32) -> (i32, i32, i32) {
    %c0_i32 = arith.constant 0 : i32
    %c0_i32_0 = arith.constant 0 : i32
    %c0_i32_1 = arith.constant 0 : i32
    return %c0_i32, %arg0, %c0_i32_0 : i32, i32, i32
  }
  func.func @transform_1(%arg0: i32) -> (i32, i32) {
    %c0_i32 = arith.constant 0 : i32
    %c0_i32_0 = arith.constant 0 : i32
    return %arg0, %c0_i32 : i32, i32
  }
  func.func @transform_2(%arg0: i32) -> (i32, i32) {
    %c0_i32 = arith.constant 0 : i32
    %c0_i32_0 = arith.constant 0 : i32
    return %arg0, %c0_i32 : i32, i32
  }
  func.func @transform_3(%arg0: i32) -> (i32, i32) {
    %c0_i32 = arith.constant 0 : i32
    %c0_i32_0 = arith.constant 0 : i32
    return %arg0, %c0_i32 : i32, i32
  }
}

module attributes {stable_mosaic.version = 14 : i64} {
  func.func @body(%arg0: i32, %arg1: memref<2x1000x16xf32, #tpu.memory_space<vmem>>, %arg2: memref<2x1000x1xf32, #tpu.memory_space<vmem>>, %arg3: memref<1000x1xf32, #tpu.memory_space<vmem>>, %arg4: memref<1000x16xf32, #tpu.memory_space<vmem>>, %arg5: memref<1x16xf32, #tpu.memory_space<vmem>>, %arg6: memref<16x32xf32, #tpu.memory_space<vmem>>, %arg7: memref<1x32xf32, #tpu.memory_space<vmem>>, %arg8: memref<1x32xf32, #tpu.memory_space<vmem>>, %arg9: memref<1x16xf32, #tpu.memory_space<vmem>>) attributes {dimension_semantics = [#tpu.dimension_semantics<arbitrary>], iteration_bounds = array<i64: 100>, scalar_prefetch = 0 : i64, scratch_operands = 1 : i64, tpu.core_type = #tpu.core_type<tc>, window_params = [{transform_indices = @transform_0, window_bounds = array<i64: 2, 1000, 16>}, {transform_indices = @transform_1, window_bounds = array<i64: 2, 1000, 1>}, {transform_indices = @transform_2, window_bounds = array<i64: 1000, 1>}, {transform_indices = @transform_3, window_bounds = array<i64: 1000, 16>}, {pipeline_mode = #tpu.pipeline_mode<synchronous>, transform_indices = @transform_4, window_bounds = array<i64: 1, 16>}, {pipeline_mode = #tpu.pipeline_mode<synchronous>, transform_indices = @transform_5, window_bounds = array<i64: 16, 32>}, {pipeline_mode = #tpu.pipeline_mode<synchronous>, transform_indices = @transform_6, window_bounds = array<i64: 1, 32>}, {pipeline_mode = #tpu.pipeline_mode<synchronous>, transform_indices = @transform_7, window_bounds = array<i64: 1, 32>}]} {
    %get3A = arith.constant 0 : index
    %get3A_0 = arith.constant 0 : index
    %get3A_1 = arith.constant 0 : index
    %get3A_2 = vector.load %arg1[%get3A, %get3A_0, %get3A_1] : memref<2x1000x16xf32, #tpu.memory_space<vmem>>, vector<1x1000x16xf32>
    %get3A_3 = vector.shape_cast %get3A_2 : vector<1x1000x16xf32> to vector<1000x16xf32>
    %get3A_4 = arith.constant 1 : index
    %get3A_5 = arith.constant 0 : index
    %get3A_6 = arith.constant 0 : index
    %get3A_7 = vector.load %arg1[%get3A_4, %get3A_5, %get3A_6] : memref<2x1000x16xf32, #tpu.memory_space<vmem>>, vector<1x1000x16xf32>
    %get3A_8 = vector.shape_cast %get3A_7 : vector<1x1000x16xf32> to vector<1000x16xf32>
    %add3A = arith.addf %get3A_3, %get3A_8 : vector<1000x16xf32>
    %get3A_9 = arith.constant 0 : index
    %get3A_10 = arith.constant 0 : index
    %get3A_11 = arith.constant 0 : index
    %get3A_12 = vector.load %arg2[%get3A_9, %get3A_10, %get3A_11] : memref<2x1000x1xf32, #tpu.memory_space<vmem>>, vector<1x1000x1xf32>
    %get3A_13 = vector.shape_cast %get3A_12 : vector<1x1000x1xf32> to vector<1000x1xf32>
    %get3A_14 = arith.constant 1 : index
    %get3A_15 = arith.constant 0 : index
    %get3A_16 = arith.constant 0 : index
    %get3A_17 = vector.load %arg2[%get3A_14, %get3A_15, %get3A_16] : memref<2x1000x1xf32, #tpu.memory_space<vmem>>, vector<1x1000x1xf32>
    %get3A_18 = vector.shape_cast %get3A_17 : vector<1x1000x1xf32> to vector<1000x1xf32>
    %add3A_19 = arith.addf %get3A_13, %get3A_18 : vector<1000x1xf32>
    %get3A_20 = arith.constant 0 : index
    %get3A_21 = arith.constant 0 : index
    %get3A_22 = vector.load %arg3[%get3A_20, %get3A_21] : memref<1000x1xf32, #tpu.memory_space<vmem>>, vector<1000x1xf32>
    %get3A_23 = arith.constant 0 : index
    %get3A_24 = arith.constant 0 : index
    %get3A_25 = vector.load %arg4[%get3A_23, %get3A_24] : memref<1000x16xf32, #tpu.memory_space<vmem>>, vector<1000x16xf32>
    %add3A_26 = arith.addf %add3A, %get3A_25 : vector<1000x16xf32>
    %mul3A = vector.broadcast %get3A_22 : vector<1000x1xf32> to vector<1000x16xf32>
    %mul3A_27 = arith.mulf %mul3A, %add3A_26 : vector<1000x16xf32>
    %get3A_28 = arith.constant 0 : index
    %get3A_29 = arith.constant 0 : index
    %get3A_30 = vector.load %arg5[%get3A_28, %get3A_29] : memref<1x16xf32, #tpu.memory_space<vmem>>, vector<1x16xf32>
    %add3A_31 = vector.broadcast %get3A_30 : vector<1x16xf32> to vector<1000x16xf32>
    %add3A_32 = arith.addf %mul3A_27, %add3A_31 : vector<1000x16xf32>
    %max3A = arith.constant 0.000000e+00 : f32
    %max3A_33 = vector.broadcast %max3A : f32 to vector<1000x16xf32>
    %max3A_34 = arith.maximumf %add3A_32, %max3A_33 : vector<1000x16xf32>
    %add3A_35 = arith.addf %add3A_19, %get3A_22 : vector<1000x1xf32>
    %mul3A_36 = arith.mulf %get3A_22, %add3A_35 : vector<1000x1xf32>
    %mul3A_37 = vector.broadcast %mul3A_36 : vector<1000x1xf32> to vector<1000x16xf32>
    %mul3A_38 = arith.mulf %mul3A_37, %max3A_34 : vector<1000x16xf32>
    %reduce_sum3A = arith.constant dense<0.000000e+00> : vector<16xf32>
    %reduce_sum3A_39 = vector.multi_reduction <add>, %mul3A_38, %reduce_sum3A [0] : vector<1000x16xf32> to vector<16xf32>
    %broadcast_in_dim3A = vector.shape_cast %reduce_sum3A_39 : vector<16xf32> to vector<1x16xf32>
    %eq3A = arith.constant 0 : i32
    %eq3A_40 = arith.cmpi eq, %arg0, %eq3A : i32
    %convert_element_type3A = arith.extui %eq3A_40 : i1 to i32
    %cond3A = arith.constant 0 : i32
    %cond3A_41 = arith.cmpi ne, %convert_element_type3A, %cond3A : i32
    scf.if %cond3A_41 {
      %broadcast_in_dim3A_53 = arith.constant 0.000000e+00 : f32
      %broadcast_in_dim3A_54 = vector.broadcast %broadcast_in_dim3A_53 : f32 to vector<1x16xf32>
      %swap3A_55 = arith.constant 0 : index
      %swap3A_56 = arith.constant 0 : index
      %swap3A_57 = vector.load %arg9[%swap3A_55, %swap3A_56] : memref<1x16xf32, #tpu.memory_space<vmem>>, vector<1x16xf32>
      tpu.vector_store %arg9[%swap3A_55, %swap3A_56], %broadcast_in_dim3A_54 {strides = array<i32>} : memref<1x16xf32, #tpu.memory_space<vmem>>, vector<1x16xf32>,
    } else {
    }
    %get3A_42 = arith.constant 0 : index
    %get3A_43 = arith.constant 0 : index
    %get3A_44 = vector.load %arg9[%get3A_42, %get3A_43] : memref<1x16xf32, #tpu.memory_space<vmem>>, vector<1x16xf32>
    %add3A_45 = arith.addf %get3A_44, %broadcast_in_dim3A : vector<1x16xf32>
    %swap3A = arith.constant 0 : index
    %swap3A_46 = arith.constant 0 : index
    %swap3A_47 = vector.load %arg9[%swap3A, %swap3A_46] : memref<1x16xf32, #tpu.memory_space<vmem>>, vector<1x16xf32>
    tpu.vector_store %arg9[%swap3A, %swap3A_46], %add3A_45 {strides = array<i32>} : memref<1x16xf32, #tpu.memory_space<vmem>>, vector<1x16xf32>,
    %eq3A_48 = arith.constant 99 : i32
    %eq3A_49 = arith.cmpi eq, %arg0, %eq3A_48 : i32
    %convert_element_type3A_50 = arith.extui %eq3A_49 : i1 to i32
    %cond3A_51 = arith.constant 0 : i32
    %cond3A_52 = arith.cmpi ne, %convert_element_type3A_50, %cond3A_51 : i32
    scf.if %cond3A_52 {
      %get3A_53 = arith.constant 0 : index
      %get3A_54 = arith.constant 0 : index
      %get3A_55 = vector.load %arg9[%get3A_53, %get3A_54] : memref<1x16xf32, #tpu.memory_space<vmem>>, vector<1x16xf32>
      %mul3A_56 = arith.constant 9.99999974E-6 : f32
      %mul3A_57 = vector.broadcast %mul3A_56 : f32 to vector<1x16xf32>
      %mul3A_58 = arith.mulf %get3A_55, %mul3A_57 : vector<1x16xf32>
      %get3A_59 = arith.constant 0 : index
      %get3A_60 = arith.constant 0 : index
      %get3A_61 = vector.load %arg6[%get3A_59, %get3A_60] : memref<16x32xf32, #tpu.memory_space<vmem>>, vector<16x32xf32>
      %dot_general3A = arith.constant dense<0.000000e+00> : vector<1x32xf32>
      %dot_general3A_62 = tpu.matmul %mul3A_58, %get3A_61, %dot_general3A {dimension_numbers = #tpu.dot_dimension_numbers<[1], [0], [0], [1], [0, 0, 1, 1], [], []>, transpose_lhs_hint = false} : vector<1x16xf32>, vector<16x32xf32>, vector<1x32xf32> -> vector<1x32xf32>
      %get3A_63 = arith.constant 0 : index
      %get3A_64 = arith.constant 0 : index
      %get3A_65 = vector.load %arg7[%get3A_63, %get3A_64] : memref<1x32xf32, #tpu.memory_space<vmem>>, vector<1x32xf32>
      %add3A_66 = arith.addf %dot_general3A_62, %get3A_65 : vector<1x32xf32>
      %swap3A_67 = arith.constant 0 : index
      %swap3A_68 = arith.constant 0 : index
      %swap3A_69 = vector.load %arg8[%swap3A_67, %swap3A_68] : memref<1x32xf32, #tpu.memory_space<vmem>>, vector<1x32xf32>
      tpu.vector_store %arg8[%swap3A_67, %swap3A_68], %add3A_66 {strides = array<i32>} : memref<1x32xf32, #tpu.memory_space<vmem>>, vector<1x32xf32>,
    } else {
    }
    return
  }
  func.func @transform_0(%arg0: i32) -> (i32, i32, i32) {
    %c0_i32 = arith.constant 0 : i32
    %c0_i32_0 = arith.constant 0 : i32
    %c0_i32_1 = arith.constant 0 : i32
    return %c0_i32, %arg0, %c0_i32_0 : i32, i32, i32
  }
  func.func @transform_1(%arg0: i32) -> (i32, i32, i32) {
    %c0_i32 = arith.constant 0 : i32
    %c0_i32_0 = arith.constant 0 : i32
    %c0_i32_1 = arith.constant 0 : i32
    return %c0_i32, %arg0, %c0_i32_0 : i32, i32, i32
  }
  func.func @transform_2(%arg0: i32) -> (i32, i32) {
    %c0_i32 = arith.constant 0 : i32
    %c0_i32_0 = arith.constant 0 : i32
    return %arg0, %c0_i32 : i32, i32
  }
  func.func @transform_3(%arg0: i32) -> (i32, i32) {
    %c0_i32 = arith.constant 0 : i32
    %c0_i32_0 = arith.constant 0 : i32
    return %arg0, %c0_i32 : i32, i32
  }
  func.func @transform_4(%arg0: i32) -> (i32, i32) {
    %c0_i32 = arith.constant 0 : i32
    %c0_i32_0 = arith.constant 0 : i32
    %c0_i32_1 = arith.constant 0 : i32
    return %c0_i32, %c0_i32_0 : i32, i32
  }
  func.func @transform_5(%arg0: i32) -> (i32, i32) {
    %c0_i32 = arith.constant 0 : i32
    %c0_i32_0 = arith.constant 0 : i32
    %c0_i32_1 = arith.constant 0 : i32
    return %c0_i32, %c0_i32_0 : i32, i32
  }
  func.func @transform_6(%arg0: i32) -> (i32, i32) {
    %c0_i32 = arith.constant 0 : i32
    %c0_i32_0 = arith.constant 0 : i32
    %c0_i32_1 = arith.constant 0 : i32
    return %c0_i32, %c0_i32_0 : i32, i32
  }
  func.func @transform_7(%arg0: i32) -> (i32, i32) {
    %c0_i32 = arith.constant 0 : i32
    %c0_i32_0 = arith.constant 0 : i32
    %c0_i32_1 = arith.constant 0 : i32
    return %c0_i32, %c0_i32_0 : i32, i32
  }
}

</mosaic_0001>

<sc_bundles>
// kernel: kernel.10.cloned.1.call-start
scs
__scs_entry_jumppad:
0x0: {  	(pc) =	sbr.rel $0x88, $3  }
0x1: {  	(tag) =	ssettag $0x0;
	lr =	simm.s32 $0x1  }
0x2: {  	[smem:$0x3F9B] =	sst lr;
	_ =	strace $0xD0000000  }
0x3: {  	_ = 	snop  }
0x4: {  	_ = 	snop  }
0x5: {  	_ = 	snop  }
0x6: {  	_ = 	snop  }
0x7: {  	_ = 	snop  }
__scs_overlays_trampoline_lowered:
0x8: {  	[smem:$0x3FAA] =	sst s0  }
0x9: {  	[smem:$0x3FAB] =	sst s1  }
0xa: {  	[smem:$0x3FAC] =	sst s2  }
0xb: {  	[smem:$0x3FAD] =	sst s3  }
0xc: {  	[smem:$0x3FAE] =	sst s4  }
0xd: {  	[smem:$0x3FAF] =	sst s5  }
0xe: {  	[smem:$0x3FB0] =	sst s6  }
0xf: {  	[smem:$0x3FB1] =	sst s7  }
0x10: {  	[smem:$0x3FB2] =	sst s8  }
0x11: {  	[smem:$0x3FB3] =	sst s9;
	s0 =	simm.s32 @!p0 $0x0  }
0x12: {  	s1 =	sld [smem:$0x3F99];
	s0 =	simm.s32 @p0 $0x1  }
0x13: {  	[smem:$0x3FB4] =	sst s0;
	s0 =	simm.s32 @!p1 $0x0  }
0x14: {  	s2 =	sld [smem:$0x3F98];
	s0 =	simm.s32 @p1 $0x1  }
0x15: {  	[smem:$0x3FB5] =	sst s0;
	s0 =	simm.s32 @!p2 $0x0  }
0x16: {  	s3 =	sld [smem:$0x3FDB];
	s0 =	simm.s32 @p2 $0x1  }
0x17: {  	s4 =	simm.s32 $0x1BF5;
	[smem:$0x3FB7] =	sst s0  }
0x18: {  	s0 =	sld [smem:$0x3F9A];
	_ =	swait.ge [sflag:s4], $0x0  }
0x19: {  	s7 =	sld [smem:$0x3F9B]  }
0x1a: {  	s8 =	sadd.s32 $0xFFFFE003, lr  }
0x1b: {  	s9 =	sadd.s32 $0xFFFFFEF7, lr;
	s5 =	simm.s32 $0xFFFFFFFF;
	p2 =	slt.u32 s8, $0xFFFFF086  }
0x1c: {  	p1 =	slt.u32 s9, $0xF7A;
	s5 =	simm.s32 @!p2 $0x0  }
0x1d: {  	s5 =	simm.s32 @p1 $0x1;
	p0 =	seq.s32 s7, s2  }
0x1e: {  	s7 =	smul.u32 @!p0 $0xF7A, s2;
	p2 =	seq.s32 @!p0 s5, $0x0  }
0x1f: {  	s9 =	smul.u32 $0xF7A, s1;
	s8 =	simm.s32 @!p0 $0x1BF5;
	p2 =	por !p2, p0  }
0x20: {  	[sflag:s8] =	ssyncset.s32 @!p0 $0xFFFFF086;
	s6 =	sadd.s32 @!p0 s3, s7;
	s7 =	simm.s32 @!p0 $0x108  }
0x21: {  	s3 =	sadd.s32 s3, s9;
	s6 =	sadd.s32 @!p0 $0x88, s6;
	s7 =	simm.s32 @p2 $0x1082  }
0x22: {  	[simem:s7], [sflag:s8] =	dma.local @!p0 [hbm:s6], $0xF7A  }
0x23: {  	s9 =	sor.u32 $0xD0000000, s2;
	s6 =	simm.s32 $0x108;
	_ =	swait.ge @!p0 [sflag:s8], $0x0  }
0x24: {  	s3 =	sadd.s32 $0x88, s3;
	s6 =	simm.s32 @!p1 $0x1082;
	[sflag:s4] =	ssyncset.s32 $0xFFFFF086  }
0x25: {  	[simem:s6], [sflag:s4] =	dma.local [hbm:s3], $0xF7A  }
0x26: {  	[smem:$0x3F9B] =	sst s1;
	(tag) =	ssettag s2;
	_ =	strace s9  }
0x27: {  	s1 =	sld [smem:$0x3FAB]  }
0x28: {  	s2 =	sld [smem:$0x3FAC]  }
0x29: {  	s4 =	sld [smem:$0x3FAE]  }
0x2a: {  	p0 =	seq.s32 s5, $0x0;
	s5 =	sld [smem:$0x3FAF]  }
0x2b: {  	s6 =	sld [smem:$0x3FB0]  }
0x2c: {  	s7 =	sld [smem:$0x3FB1]  }
0x2d: {  	s3 =	simm.s32 $0x108;
	s8 =	sld [smem:$0x3FB2]  }
0x2e: {  	s3 =	simm.s32 @!p0 $0x1082;
	s9 =	sld [smem:$0x3FB3]  }
0x2f: {  	lr =	sadd.s32 s0, s3;
	s0 =	sld [smem:$0x3FAA]  }
0x30: {  	s3 =	sld [smem:$0x3FAD]  }
0x31: {  	[smem:$0x3FB6] =	sst s10  }
0x32: {  	s10 =	sld [smem:$0x3FB4];
	_ =	sdelay $0x3  }
0x33: {  	p0 =	seq.s32 s10, $0x1;
	s10 =	sld [smem:$0x3FB6];
	_ =	sdelay $0x3  }
0x34: {  	[smem:$0x3FB6] =	sst s10  }
0x35: {  	s10 =	sld [smem:$0x3FB5];
	_ =	sdelay $0x3  }
0x36: {  	p1 =	seq.s32 s10, $0x1;
	s10 =	sld [smem:$0x3FB6];
	_ =	sdelay $0x3  }
0x37: {  	[smem:$0x3FB6] =	sst s10  }
0x38: {  	s10 =	sld [smem:$0x3FB7]  }
0x39: {  	_ = 	snop;
	(pc) =	sbr.ind lr, $3  }
0x3a: {  	_ = 	snop  }
0x3b: {  	_ = 	snop  }
0x3c: {  	p2 =	seq.s32 s10, $0x1;
	s10 =	sld [smem:$0x3FB6]  }
0x3d: {  	_ =	shalt  }
0x3e: {  	_ =	shalt  }
0x3f: {  	_ =	shalt  }
0x40: {  	_ =	shalt  }
0x41: {  	_ =	shalt  }
0x42: {  	_ =	shalt  }
0x43: {  	_ =	shalt  }
0x44: {  	_ =	shalt  }
0x45: {  	_ =	shalt  }
0x46: {  	_ =	shalt  }
0x47: {  	_ =	shalt  }
0x48: {  	_ =	shalt  }
0x49: {  	_ =	shalt  }
0x4a: {  	_ =	shalt  }
0x4b: {  	_ =	shalt  }
0x4c: {  	_ =	shalt  }
0x4d: {  	_ =	shalt  }
0x4e: {  	_ =	shalt  }
0x4f: {  	_ =	shalt  }
0x50: {  	_ =	shalt  }
0x51: {  	_ =	shalt  }
0x52: {  	_ =	shalt  }
0x53: {  	_ =	shalt  }
0x54: {  	_ =	shalt  }
0x55: {  	_ =	shalt  }
0x56: {  	_ =	shalt  }
0x57: {  	_ =	shalt  }
0x58: {  	_ =	shalt  }
0x59: {  	_ =	shalt  }
0x5a: {  	_ =	shalt  }
0x5b: {  	_ =	shalt  }
0x5c: {  	_ =	shalt  }
0x5d: {  	_ =	shalt  }
0x5e: {  	_ =	shalt  }
0x5f: {  	_ =	shalt  }
0x60: {  	_ =	shalt  }
0x61: {  	_ =	shalt  }
0x62: {  	_ =	shalt  }
0x63: {  	_ =	shalt  }
0x64: {  	_ =	shalt  }
0x65: {  	_ =	shalt  }
0x66: {  	_ =	shalt  }
0x67: {  	_ =	shalt  }
0x68: {  	_ =	shalt  }
0x69: {  	_ =	shalt  }
0x6a: {  	_ =	shalt  }
0x6b: {  	_ =	shalt  }
0x6c: {  	_ =	shalt  }
0x6d: {  	_ =	shalt  }
0x6e: {  	_ =	shalt  }
0x6f: {  	_ =	shalt  }
0x70: {  	_ =	shalt  }
0x71: {  	_ =	shalt  }
0x72: {  	_ =	shalt  }
0x73: {  	_ =	shalt  }
0x74: {  	_ =	shalt  }
0x75: {  	_ =	shalt  }
0x76: {  	_ =	shalt  }
0x77: {  	_ =	shalt  }
0x78: {  	_ =	shalt  }
0x79: {  	_ =	shalt  }
0x7a: {  	_ =	shalt  }
0x7b: {  	_ =	shalt  }
0x7c: {  	_ =	shalt  }
0x7d: {  	_ =	shalt  }
0x7e: {  	_ =	shalt  }
0x7f: {  	_ =	shalt  }
0x80: {  	_ =	shalt  }
0x81: {  	_ =	shalt  }
0x82: {  	_ =	shalt  }
0x83: {  	_ =	shalt  }
0x84: {  	_ =	shalt  }
0x85: {  	_ =	shalt  }
0x86: {  	_ =	shalt  }
0x87: {  	_ =	shalt  }
.Lfunc_end0:
.L_simem_size_0:
called_computation.1_lowered:
.L_overlay_start_0:
0x88: {  	s2 =	sld [smem:$0x3FD9]  }
0x89: {  	s3 =	sld [smem:$0x3FFE];
	_ =	sdelay $0x1  }
0x8a: {  	s1 =	srdreg.scid  }
0x8b: {  	s0 =	sand.u32 $0x1, s1  }
0x8c: {  	s16 =	sshll.u32 s0, $0xA;
	s2 =	sadd.s32 s3, s2  }
0x8d: {  	s2 =	sadd.s32 s2, s16  }
0x8e: {  	[smem:$0x3FC2] =	sst s2  }
0x8f: {  	_ = 	snop  }
0x90: {  	(tm) =	ssettm $0x1  }
0x91: {  	s17 =	sld [smem:$0x3FFB];
	_ =	sdelay $0x3  }
0x92: {  	_ =	strace s17  }
0x93: {  	s2 =	sld [smem:$0x3FFC];
	_ =	sdelay $0x3  }
0x94: {  	_ =	strace s2  }
0x95: {  	s2 =	sld [smem:$0x3FFD];
	_ =	sdelay $0x3  }
0x96: {  	_ =	strace s2  }
0x97: {  	_ =	strace $0x8FFFFFFF  }
0x98: {  	s18 =	sld [smem:$0x3FDB];
	_ =	sdelay $0x1  }
0x99: {  	s19 =	simm.s32 $_scs_section_size  }
0x9a: {  	s4 =	simm.s32 $_size__tile_overlayer_lowered;
	s5 =	simm.s32 $_tile_overlayer_lowered  }
0x9b: {  	s22 =	simm.s32 $0x1BFF;
	s21 =	sshll.u32 s5, $0x1;
	s2 =	sadd.s32 s19, s18  }
0x9c: {  	s6 =	simm.s32 $0x0;
	s20 =	sshll.u32 s4, $0x1;
	s4 =	sadd.s32 s21, s2  }
0x9d: {  	[timem:s6], [sflag:s22] =	dma.local [hbm:s4], s20  }
0x9e: {  	_ =	swait.ge [sflag:s22], s20  }
0x9f: {  	s3 =	ssub.s32 $0x0, s20;
	[sflag:s22] =	ssyncset.done $0x0  }
0xa0: {  	[sflag:s22] =	ssyncadd.s32 s3;
	_ =	sdelay $0x1  }
0xa1: {  	s23 =	simm.s32 $0x1B8B  }
0xa2: {  	_ =	swait.ge [sflag:s23], $0x1  }
0xa3: {  	[sflag:s23] =	ssyncset.done $0x0  }
0xa4: {  	s25 =	simm.s32 $0x1B8E;
	s24 =	sld [smem:$0x3FFE];
	[sflag:s23] =	ssyncadd.s32 $0xFFFFFFFF  }
0xa5: {  	s26 =	simm.s32 $execute0_lowered;
	[smem:$0x3FD2] =	sst s25  }
0xa6: {  	s4 =	sshll.u32 s26, $0x1;
	_ =	strace $0x80000049;
	[dreg:$0x1] =	wrdreg $0xFFFFFFFF  }
0xa7: {  	s28 =	simm.s32 $_size_execute0_lowered;
	s2 =	sadd.s32 s2, s4;
	[dreg:$0x0] =	wrdreg $0x0  }
0xa8: {  	s4 =	sshll.u32 s28, $0x1;
	[dreg:$0x2] =	wrdreg s2  }
0xa9: {  	[dreg:$0x3] =	wrdreg s4  }
0xaa: {  	[dreg:$0x4] =	wrdreg $0xC0  }
0xab: {  	_ =	task [dreg:s6], $0x5FFFF  }
0xac: {  	[dreg:$0x1] =	wrdreg $0xFFFFFFFF  }
0xad: {  	[dreg:$0x0] =	wrdreg $0x60  }
0xae: {  	[dreg:$0x2] =	wrdreg s24  }
0xaf: {  	[dreg:$0x3] =	wrdreg $0x42000  }
0xb0: {  	[dreg:$0x4] =	wrdreg $0x1C9000  }
0xb1: {  	[dreg:$0x5] =	wrdreg $0x1E1700  }
0xb2: {  	[dreg:$0x6] =	wrdreg $0x9  }
0xb3: {  	_ =	task.clear_ibuf [dreg:s6], $0x7FFFF;
	_ =	strace $0x90000049  }
0xb4: {  	s29 =	simm.s32 $0x9;
	_ =	strace $0x8000004B  }
0xb5: {  	_ =	swait.ge [sflag:s29], $0x1  }
0xb6: {  	[sflag:s29] =	ssyncadd.s32 $0xFFFFFFFF  }
0xb7: {  	_ =	strace $0x9000004B  }
0xb8: {  	_ =	sfence  }
0xb9: {  	s30 =	sld [smem:$0x0];
	_ =	sdelay $0x2  }
0xba: {  	s31 =	sshll.u32 s1, $0xD;
	s1 =	sshrl.u32 s1, $0x2  }
0xbb: {  	s3 =	sand.u32 $0x4000, s31;
	s1 =	sadd.s32 s1, s30  }
0xbc: {  	s0 =	sor.u32 s3, s0;
	s1 =	sshll.u32 s1, $0x11  }
0xbd: {  	s0 =	sor.u32 s1, s0  }
0xbe: {  	s0 =	sadd.s32 $0x8F2B, s0  }
0xbf: {  	[sflag:s0] =	ssyncadd.remote.s32 $0x1  }
0xc0: {  	_ =	sfence.sel $0xFFFF  }
0xc1: {  	[dreg:$0x0] =	wrdreg $0xFFFFFFFF;
	(pc) =	sbr.abs _section_cstart, $3  }
0xc2: {  	[dreg:$0x1] =	wrdreg $0xFFFFFFFF  }
0xc3: {  	_ =	task.clear_ibuf [dreg:s6], $0x2FFFF;
	_ =	strace $0x9FFFFFFF  }
0xc4: {  	(tm) =	ssettm $0x7FFFFFFF  }
0xc5: {  	_ =	shalt  }
tec
execute0_lowered:
.L_overlay_start_1:
0x0: {  	(tag) =	ssettag $0x1  }
0x1: {  	s0 =	rddreg [dreg:$0x0]  }
0x2: {  	s1 =	rddreg [dreg:$0x1]  }
0x3: {  	s3 =	rddreg [dreg:$0x2]  }
0x4: {  	s4 =	rddreg [dreg:$0x3]  }
0x5: {  	s5 =	simm.s32 $0x0;
	s15 =	stileid.u32;
	s2 =	srdreg.scid  }
0x6: {  	s28 =	simm.s32 $0x80;
	s29 =	simm.s32 $0x2000;
	s30 =	simm.s32 $0x4000  }
0x7: {  	s31 =	simm.s32 $0x5;
	[smem:$0x7FF] =	sst s5;
	s26 =	smul.u32 $0x1870, s15  }
0x8: {  	s2 =	sand.u32 $0x1, s2;
	s16 =	sadd.s32 $0x32C00, s0;
	s17 =	sadd.s32 $0xC00, s0  }
0x9: {  	s7 =	smul.u32 $0x18700, s15;
	s8 =	sadd.s32 $0x67E00, s0;
	s14 =	sshll.u32 s15, $0x1  }
0xa: {  	s18 =	sshll.u32 s15, $0x6;
	s15 =	simm.s32 $0x7;
	_ =	strace $0x8000004A  }
0xb: {  	s6 =	smul.u32 $0x18700, s2;
	s12 =	ssub.s32 $0x2, s2;
	[dreg:$0x6] =	wrdreg s16  }
0xc: {  	s2 =	sor.u32 s2, s14;
	[dreg:$0x7] =	wrdreg s17;
	s14 =	simm.s32 $0x3  }
0xd: {  	s9 =	sshrl.u32 s26, $0x3;
	s10 =	sshrl.u32 s7, $0x3;
	s13 =	sshrl.u32 s12, $0x1  }
0xe: {  	s7 =	sadd.s32 s7, s1;
	s19 =	sadd.s32 s26, s3;
	s2 =	smul.u32 $0x1900, s2  }
0xf: {  	s5 =	sadd.s32 s26, s4;
	s6 =	sadd.s32 s26, s6;
	s9 =	sadd.s32 s9, s0  }
0x10: {  	s10 =	sadd.s32 s10, s0;
	[dreg:$0xa] =	wrdreg s19;
	s26 =	sshrl.u32 s5, $0x3  }
0x11: {  	s13 =	ssub.s32 s12, s13;
	s7 =	sshrl.u32 s7, $0x3;
	[dreg:$0x14] =	wrdreg s26  }
0x12: {  	s12 =	simm.s32 $0x2;
	s10 =	sadd.s32 $0x9BE00, s10;
	[dreg:$0x13] =	wrdreg s7  }
0x13: {  	s11 =	sshll.u32 s6, $0x1;
	s20 =	sadd.s32 $0x64C00, s9;
	[dreg:$0x8] =	wrdreg s10  }
0x14: {  	s6 =	sshrl.u32 s6, $0x3;
	s9 =	sadd.s32 $0x98C00, s9;
	[dreg:$0xb] =	wrdreg s20  }
0x15: {  	s21 =	sadd.s32 s16, s2;
	s22 =	sadd.s32 s17, s2;
	[dreg:$0xc] =	wrdreg s9  }
0x16: {  	s24 =	smax.u32 s13, $0x1;
	s25 =	sadd.s32 $0x100, s2;
	[dreg:$0xd] =	wrdreg s21  }
0x17: {  	s13 =	simm.s32 $0x6;
	s16 =	simm.s32 $0x4;
	[dreg:$0xe] =	wrdreg s22  }
0x18: {  	s17 =	simm.s32 $0x8;
	s2 =	simm.s32 $0x0;
	[dreg:$0x11] =	wrdreg s24  }
0x19: {  	s11 =	sadd.s32 s11, s0;
	s10 =	sor.u32 $0x1C0B, s18;
	[dreg:$0x12] =	wrdreg s25  }
0x1a: {  	s0 =	sadd.s32 s6, s0;
	s23 =	sadd.s32 $0xCCC00, s11;
	[dreg:$0x9] =	wrdreg s10  }
0x1b: {  	s21 =	simm.s32 $0xB;
	s0 =	sadd.s32 $0x12E800, s0;
	[dreg:$0xf] =	wrdreg s23  }
0x1c: {  	s11 =	simm.s32 $0x1;
	[dreg:$0x10] =	wrdreg s0;
	s0 =	simm.s32 $0x2800  }
.LBB2_1:
0x1d: {  	[dreg:$0x15] =	wrdreg s2  }
0x1e: {  	s6 =	rddreg [dreg:$0x8]  }
0x1f: {  	[spmem:s7], [sflag:s10] =	dma.local [hbm:s6], $0x30E0  }
0x20: {  	_ =	swait.ge [sflag:s21], $0x30E0  }
0x21: {  	s9 =	rddreg [dreg:$0xa]  }
0x22: {  	[sflag:s21] =	ssyncset.done $0x0;
	s19 =	rddreg [dreg:$0xb];
	s18 =	sshrl.u32 s9, $0x3  }
0x23: {  	[sflag:s21] =	ssyncadd.s32 $0xFFFFCF20;
	[dreg:$0x16] =	wrdreg s18  }
0x24: {  	[spmem:s18], [sflag:s10] =	dma.local [hbm:s19], $0x30E  }
0x25: {  	_ =	swait.ge [sflag:s21], $0x30E  }
0x26: {  	[sflag:s21] =	ssyncset.done $0x0;
	s20 =	rddreg [dreg:$0xc]  }
0x27: {  	s22 =	rddreg [dreg:$0x14];
	[sflag:s21] =	ssyncadd.s32 $0xFFFFFCF2  }
0x28: {  	[spmem:s22], [sflag:s10] =	dma.local [hbm:s20], $0x30E  }
0x29: {  	_ =	swait.ge [sflag:s21], $0x30E  }
0x2a: {  	[sflag:s21] =	ssyncset.done $0x0  }
0x2b: {  	[sflag:s21] =	ssyncadd.s32 $0xFFFFFCF2  }
0x2c: {  	[bflag:$0x0] =	sbarrier.arrive $0xFFFF  }
0x2d: {  	s23 =	simm.s32 $0x0;
	s26 =	simm.s32 $0x1000;
	s24 =	rddreg [dreg:$0xd]  }
0x2e: {  	[tilespmem:s23], [sflag:$0x9] =	stream.linear.gather [hbm4b:s24+s23], $0x800, $0x38;
	[tilespmem:$0x1F9E0] =	vst v63  }
0x2f: {  	p0 =	por $0x0, $0x0;
	s2 =	simm.s32 $0x0;
	s25 =	rddreg [dreg:$0xe]  }
0x30: {  	[tilespmem:s26], [sflag:$0xA] =	stream.linear.gather [hbm4b:s25+s23], $0x800, $0x38;
	[tilespmem:$0x1F9E0] =	vst v63  }
.LBB2_2:
0x31: {  	s6 =	simm.s32 $0x1  }
0x32: {  	s6 =	simm.s32 @!p0 $0x0  }
0x33: {  	s20 =	sshll.u32 s6, $0xB  }
0x34: {  	s6 =	sor.u32 $0x1000, s20  }
0x35: {  	s24 =	simm.s32 $0x9;
	[dreg:$0x5] =	wrdreg s6  }
0x36: {  	_ =	swait.ge [sflag:s24], $0x800  }
0x37: {  	[sflag:s24] =	ssyncset.done $0x0  }
0x38: {  	s10 =	simm.s32 $0xA;
	[sflag:s24] =	ssyncadd.s32 $0xFFFFF800  }
0x39: {  	_ =	swait.ge [sflag:s10], $0x800  }
0x3a: {  	p1 =	seq.s32 s2, $0x18;
	s25 =	sshll.u32 s2, $0xB;
	[sflag:s10] =	ssyncset.done $0x0  }
0x3b: {  	s7 =	sshll.u32 @!p1 s2, $0x8;
	[sflag:s10] =	ssyncadd.s32 $0xFFFFF800;
	s10 =	rddreg [dreg:$0x12]  }
0x3c: {  	s6 =	sand.u32 $0x800, s25;
	s18 =	rddreg [dreg:$0x6];
	s7 =	sadd.s32 @!p1 s10, s7  }
0x3d: {  	s19 =	simm.s32 @!p1 $0x0;
	s10 =	ssub.s32 @!p1 $0x800, s6;
	s18 =	sadd.s32 @!p1 s18, s7  }
0x3e: {  	[tilespmem:s10], [sflag:$0x9] =	stream.linear.gather @!p1 [hbm4b:s18+s19], $0x800, $0x38;
	[tilespmem:$0x1F9E0] =	vst v63  }
0x3f: {  	s10 =	rddreg [dreg:$0x7]  }
0x40: {  	s6 =	ssub.s32 @!p1 $0x1800, s6;
	s7 =	sadd.s32 @!p1 s10, s7  }
0x41: {  	[tilespmem:s6], [sflag:$0xA] =	stream.linear.gather @!p1 [hbm4b:s7+s19], $0x800, $0x38;
	[tilespmem:$0x1F9E0] =	vst v63  }
0x42: {  	s26 =	rddreg [dreg:$0x5];
	s7 =	sadd.s32 $0x0, s20  }
0x43: {  	[tilespmem:s29], [sflag:$0x1] =	stream.indirect.gather [hbm4b:s8+s28], $0x10, s7, s28, $0xb8;
	[tilespmem:$0x1F9E0] =	vst v63  }
0x44: {  	s6 =	sadd.s32 $0x0, s26  }
0x45: {  	[tilespmem:s30], [sflag:$0x5] =	stream.indirect.gather [spmem:s4], $0x1, s6, s28, $0xb8;
	[tilespmem:$0x1F9E0] =	vst v63  }
0x46: {  	s10 =	sadd.s32 $0x80, s7  }
0x47: {  	[tilespmem:s0], [sflag:$0x2] =	stream.indirect.gather [hbm4b:s8+s28], $0x10, s10, s28, $0xb8;
	[tilespmem:$0x1F9E0] =	vst v63  }
0x48: {  	s22 =	simm.s32 $0x4080;
	s18 =	sadd.s32 $0x80, s6  }
0x49: {  	[tilespmem:s22], [sflag:$0x6] =	stream.indirect.gather [spmem:s4], $0x1, s18, s28, $0xb8;
	[tilespmem:$0x1F9E0] =	vst v63  }
0x4a: {  	[dreg:$0x17] =	wrdreg s2;
	s2 =	simm.s32 $0x3000;
	s19 =	sadd.s32 $0x100, s7  }
0x4b: {  	[tilespmem:s2], [sflag:$0x3] =	stream.indirect.gather [hbm4b:s8+s28], $0x10, s19, s28, $0xb8;
	[tilespmem:$0x1F9E0] =	vst v63  }
0x4c: {  	s23 =	simm.s32 $0x4100;
	s25 =	sadd.s32 $0x100, s6  }
0x4d: {  	[tilespmem:s23], [sflag:$0x7] =	stream.indirect.gather [spmem:s4], $0x1, s25, s28, $0xb8;
	[tilespmem:$0x1F9E0] =	vst v63  }
0x4e: {  	s5 =	simm.s32 $0x3800;
	s26 =	sadd.s32 $0x180, s7  }
0x4f: {  	[tilespmem:s5], [sflag:$0x4] =	stream.indirect.gather [hbm4b:s8+s28], $0x10, s26, s28, $0xb8;
	[tilespmem:$0x1F9E0] =	vst v63  }
0x50: {  	s9 =	simm.s32 $0x4180;
	s24 =	smov.u32 s20;
	s20 =	sadd.s32 $0x180, s6  }
0x51: {  	[tilespmem:s9], [sflag:$0x8] =	stream.indirect.gather [spmem:s4], $0x1, s20, s28, $0xb8;
	[tilespmem:$0x1F9E0] =	vst v63  }
0x52: {  	_ =	swait.ge [sflag:s11], $0x800  }
0x53: {  	[sflag:s11] =	ssyncset.done $0x0  }
0x54: {  	[sflag:s11] =	ssyncadd.s32 $0xFFFFF800  }
0x55: {  	[spmem:s1] =	stream.indirect.scatter.add.f32 [tilespmem:s29], [sflag:$0xB], $0x10, s6, s28, $0xb8;
	[tilespmem:$0x1F9E0] =	vst v63  }
0x56: {  	_ =	swait.ge [sflag:s21], $0x800  }
0x57: {  	[sflag:s21] =	ssyncset.done $0x0  }
0x58: {  	[sflag:s21] =	ssyncadd.s32 $0xFFFFF800  }
0x59: {  	_ =	swait.ge [sflag:s31], $0x80  }
0x5a: {  	[sflag:s31] =	ssyncset.done $0x0  }
0x5b: {  	[sflag:s31] =	ssyncadd.s32 $0xFFFFFF80  }
0x5c: {  	[spmem:s3] =	stream.indirect.scatter.add.f32 [tilespmem:s30], [sflag:$0xB], $0x1, s7, s28, $0xb8;
	[tilespmem:$0x1F9E0] =	vst v63  }
0x5d: {  	_ =	swait.ge [sflag:s21], $0x80  }
0x5e: {  	[sflag:s21] =	ssyncset.done $0x0  }
0x5f: {  	[sflag:s21] =	ssyncadd.s32 $0xFFFFFF80  }
0x60: {  	_ =	swait.ge [sflag:s12], $0x800  }
0x61: {  	[sflag:s12] =	ssyncset.done $0x0  }
0x62: {  	[sflag:s12] =	ssyncadd.s32 $0xFFFFF800  }
0x63: {  	[spmem:s1] =	stream.indirect.scatter.add.f32 [tilespmem:s0], [sflag:$0xB], $0x10, s18, s28, $0xb8;
	[tilespmem:$0x1F9E0] =	vst v63  }
0x64: {  	_ =	swait.ge [sflag:s21], $0x800  }
0x65: {  	[sflag:s21] =	ssyncset.done $0x0  }
0x66: {  	[sflag:s21] =	ssyncadd.s32 $0xFFFFF800  }
0x67: {  	_ =	swait.ge [sflag:s13], $0x80  }
0x68: {  	[sflag:s13] =	ssyncset.done $0x0  }
0x69: {  	[sflag:s13] =	ssyncadd.s32 $0xFFFFFF80  }
0x6a: {  	[spmem:s3] =	stream.indirect.scatter.add.f32 [tilespmem:s22], [sflag:$0xB], $0x1, s10, s28, $0xb8;
	[tilespmem:$0x1F9E0] =	vst v63  }
0x6b: {  	_ =	swait.ge [sflag:s21], $0x80  }
0x6c: {  	[sflag:s21] =	ssyncset.done $0x0  }
0x6d: {  	[sflag:s21] =	ssyncadd.s32 $0xFFFFFF80  }
0x6e: {  	_ =	swait.ge [sflag:s14], $0x800  }
0x6f: {  	[sflag:s14] =	ssyncset.done $0x0  }
0x70: {  	[sflag:s14] =	ssyncadd.s32 $0xFFFFF800  }
0x71: {  	[spmem:s1] =	stream.indirect.scatter.add.f32 [tilespmem:s2], [sflag:$0xB], $0x10, s25, s28, $0xb8;
	[tilespmem:$0x1F9E0] =	vst v63  }
0x72: {  	_ =	swait.ge [sflag:s21], $0x800  }
0x73: {  	[sflag:s21] =	ssyncset.done $0x0  }
0x74: {  	[sflag:s21] =	ssyncadd.s32 $0xFFFFF800  }
0x75: {  	_ =	swait.ge [sflag:s15], $0x80  }
0x76: {  	[sflag:s15] =	ssyncset.done $0x0  }
0x77: {  	[sflag:s15] =	ssyncadd.s32 $0xFFFFFF80  }
0x78: {  	[spmem:s3] =	stream.indirect.scatter.add.f32 [tilespmem:s23], [sflag:$0xB], $0x1, s19, s28, $0xb8;
	[tilespmem:$0x1F9E0] =	vst v63  }
0x79: {  	_ =	swait.ge [sflag:s21], $0x80  }
0x7a: {  	[sflag:s21] =	ssyncset.done $0x0  }
0x7b: {  	[sflag:s21] =	ssyncadd.s32 $0xFFFFFF80  }
0x7c: {  	_ =	swait.ge [sflag:s16], $0x800  }
0x7d: {  	[sflag:s16] =	ssyncset.done $0x0  }
0x7e: {  	[sflag:s16] =	ssyncadd.s32 $0xFFFFF800  }
0x7f: {  	[spmem:s1] =	stream.indirect.scatter.add.f32 [tilespmem:s5], [sflag:$0xB], $0x10, s20, s28, $0xb8;
	[tilespmem:$0x1F9E0] =	vst v63  }
0x80: {  	_ =	swait.ge [sflag:s21], $0x800  }
0x81: {  	[sflag:s21] =	ssyncset.done $0x0  }
0x82: {  	[sflag:s21] =	ssyncadd.s32 $0xFFFFF800  }
0x83: {  	_ =	swait.ge [sflag:s17], $0x80  }
0x84: {  	[sflag:s17] =	ssyncset.done $0x0  }
0x85: {  	[sflag:s17] =	ssyncadd.s32 $0xFFFFFF80  }
0x86: {  	[spmem:s3] =	stream.indirect.scatter.add.f32 [tilespmem:s9], [sflag:$0xB], $0x1, s26, s28, $0xb8;
	[tilespmem:$0x1F9E0] =	vst v63  }
0x87: {  	s11 =	simm.s32 $0x1;
	s6 =	simm.s32 $0x200;
	_ =	swait.ge [sflag:s21], $0x80  }
0x88: {  	s19 =	simm.s32 $0x1000;
	s7 =	rddreg [dreg:$0x5];
	[sflag:s21] =	ssyncset.done $0x0  }
.LBB2_3:
0x89: {  	s20 =	sadd.s32 s6, s24;
	[sflag:s21] =	ssyncadd.s32 $0xFFFFFF80  }
0x8a: {  	[tilespmem:s29], [sflag:$0x1] =	stream.indirect.gather [hbm4b:s8+s28], $0x10, s20, s28, $0xb8;
	[tilespmem:$0x1F9E0] =	vst v63  }
0x8b: {  	s29 =	sadd.s32 s6, s7  }
0x8c: {  	[tilespmem:s30], [sflag:$0x5] =	stream.indirect.gather [spmem:s4], $0x1, s29, s28, $0xb8;
	[tilespmem:$0x1F9E0] =	vst v63  }
0x8d: {  	s18 =	smov.u32 s19;
	s26 =	sadd.s32 $0x80, s20  }
0x8e: {  	[tilespmem:s0], [sflag:$0x2] =	stream.indirect.gather [hbm4b:s8+s28], $0x10, s26, s28, $0xb8;
	[tilespmem:$0x1F9E0] =	vst v63  }
0x8f: {  	s10 =	sadd.s32 $0x800, s19;
	s22 =	simm.s32 $0x4080;
	s30 =	sadd.s32 $0x80, s29  }
0x90: {  	[tilespmem:s22], [sflag:$0x6] =	stream.indirect.gather [spmem:s4], $0x1, s30, s28, $0xb8;
	[tilespmem:$0x1F9E0] =	vst v63  }
0x91: {  	p1 =	sne.s32 s19, $0x1800;
	s2 =	simm.s32 $0x3000;
	s19 =	sadd.s32 $0x100, s20  }
0x92: {  	[tilespmem:s2], [sflag:$0x3] =	stream.indirect.gather [hbm4b:s8+s28], $0x10, s19, s28, $0xb8;
	[tilespmem:$0x1F9E0] =	vst v63  }
0x93: {  	s23 =	simm.s32 $0x4100;
	s25 =	sadd.s32 $0x100, s29  }
0x94: {  	[tilespmem:s23], [sflag:$0x7] =	stream.indirect.gather [spmem:s4], $0x1, s25, s28, $0xb8;
	[tilespmem:$0x1F9E0] =	vst v63  }
0x95: {  	s5 =	simm.s32 $0x3800;
	s6 =	sadd.s32 $0x180, s20  }
0x96: {  	[tilespmem:s5], [sflag:$0x4] =	stream.indirect.gather [hbm4b:s8+s28], $0x10, s6, s28, $0xb8;
	[tilespmem:$0x1F9E0] =	vst v63  }
0x97: {  	s9 =	simm.s32 $0x4180;
	s7 =	sadd.s32 $0x180, s29  }
0x98: {  	[tilespmem:s9], [sflag:$0x8] =	stream.indirect.gather [spmem:s4], $0x1, s7, s28, $0xb8;
	[tilespmem:$0x1F9E0] =	vst v63  }
0x99: {  	_ =	swait.ge [sflag:s11], $0x800  }
0x9a: {  	[sflag:s11] =	ssyncset.done $0x0  }
0x9b: {  	s31 =	simm.s32 $0x2000;
	[sflag:s11] =	ssyncadd.s32 $0xFFFFF800  }
0x9c: {  	[spmem:s1] =	stream.indirect.scatter.add.f32 [tilespmem:s31], [sflag:$0xB], $0x10, s29, s28, $0xb8;
	[tilespmem:$0x1F9E0] =	vst v63  }
0x9d: {  	_ =	swait.ge [sflag:s21], $0x800  }
0x9e: {  	[sflag:s21] =	ssyncset.done $0x0  }
0x9f: {  	s31 =	simm.s32 $0x5;
	[sflag:s21] =	ssyncadd.s32 $0xFFFFF800  }
0xa0: {  	_ =	swait.ge [sflag:s31], $0x80  }
0xa1: {  	[sflag:s31] =	ssyncset.done $0x0  }
0xa2: {  	s0 =	simm.s32 $0x4000;
	[sflag:s31] =	ssyncadd.s32 $0xFFFFFF80  }
0xa3: {  	[spmem:s3] =	stream.indirect.scatter.add.f32 [tilespmem:s0], [sflag:$0xB], $0x1, s20, s28, $0xb8;
	[tilespmem:$0x1F9E0] =	vst v63  }
0xa4: {  	_ =	swait.ge [sflag:s21], $0x80  }
0xa5: {  	[sflag:s21] =	ssyncset.done $0x0  }
0xa6: {  	[sflag:s21] =	ssyncadd.s32 $0xFFFFFF80  }
0xa7: {  	_ =	swait.ge [sflag:s12], $0x800  }
0xa8: {  	[sflag:s12] =	ssyncset.done $0x0  }
0xa9: {  	s0 =	simm.s32 $0x2800;
	[sflag:s12] =	ssyncadd.s32 $0xFFFFF800  }
0xaa: {  	[spmem:s1] =	stream.indirect.scatter.add.f32 [tilespmem:s0], [sflag:$0xB], $0x10, s30, s28, $0xb8;
	[tilespmem:$0x1F9E0] =	vst v63  }
0xab: {  	_ =	swait.ge [sflag:s21], $0x800  }
0xac: {  	[sflag:s21] =	ssyncset.done $0x0  }
0xad: {  	[sflag:s21] =	ssyncadd.s32 $0xFFFFF800  }
0xae: {  	_ =	swait.ge [sflag:s13], $0x80  }
0xaf: {  	[sflag:s13] =	ssyncset.done $0x0  }
0xb0: {  	[sflag:s13] =	ssyncadd.s32 $0xFFFFFF80  }
0xb1: {  	[spmem:s3] =	stream.indirect.scatter.add.f32 [tilespmem:s22], [sflag:$0xB], $0x1, s26, s28, $0xb8;
	[tilespmem:$0x1F9E0] =	vst v63  }
0xb2: {  	_ =	swait.ge [sflag:s21], $0x80  }
0xb3: {  	[sflag:s21] =	ssyncset.done $0x0  }
0xb4: {  	[sflag:s21] =	ssyncadd.s32 $0xFFFFFF80  }
0xb5: {  	_ =	swait.ge [sflag:s14], $0x800  }
0xb6: {  	[sflag:s14] =	ssyncset.done $0x0  }
0xb7: {  	[sflag:s14] =	ssyncadd.s32 $0xFFFFF800  }
0xb8: {  	[spmem:s1] =	stream.indirect.scatter.add.f32 [tilespmem:s2], [sflag:$0xB], $0x10, s25, s28, $0xb8;
	[tilespmem:$0x1F9E0] =	vst v63  }
0xb9: {  	_ =	swait.ge [sflag:s21], $0x800  }
0xba: {  	[sflag:s21] =	ssyncset.done $0x0  }
0xbb: {  	[sflag:s21] =	ssyncadd.s32 $0xFFFFF800  }
0xbc: {  	_ =	swait.ge [sflag:s15], $0x80  }
0xbd: {  	[sflag:s15] =	ssyncset.done $0x0  }
0xbe: {  	[sflag:s15] =	ssyncadd.s32 $0xFFFFFF80  }
0xbf: {  	[spmem:s3] =	stream.indirect.scatter.add.f32 [tilespmem:s23], [sflag:$0xB], $0x1, s19, s28, $0xb8;
	[tilespmem:$0x1F9E0] =	vst v63  }
0xc0: {  	_ =	swait.ge [sflag:s21], $0x80  }
0xc1: {  	[sflag:s21] =	ssyncset.done $0x0  }
0xc2: {  	[sflag:s21] =	ssyncadd.s32 $0xFFFFFF80  }
0xc3: {  	_ =	swait.ge [sflag:s16], $0x800  }
0xc4: {  	[sflag:s16] =	ssyncset.done $0x0  }
0xc5: {  	[sflag:s16] =	ssyncadd.s32 $0xFFFFF800  }
0xc6: {  	[spmem:s1] =	stream.indirect.scatter.add.f32 [tilespmem:s5], [sflag:$0xB], $0x10, s7, s28, $0xb8;
	[tilespmem:$0x1F9E0] =	vst v63  }
0xc7: {  	_ =	swait.ge [sflag:s21], $0x800  }
0xc8: {  	[sflag:s21] =	ssyncset.done $0x0  }
0xc9: {  	[sflag:s21] =	ssyncadd.s32 $0xFFFFF800  }
0xca: {  	_ =	swait.ge [sflag:s17], $0x80  }
.Ltmp0:
0xcb: {  	[sflag:s17] =	ssyncset.done $0x0;
	(pc) =	sbr.rel @p1 .LBB2_3-.Ltmp0, $4  }
0xcc: {  	s29 =	simm.s32 $0x2000;
	[sflag:s17] =	ssyncadd.s32 $0xFFFFFF80  }
0xcd: {  	[spmem:s3] =	stream.indirect.scatter.add.f32 [tilespmem:s9], [sflag:$0xB], $0x1, s6, s28, $0xb8;
	[tilespmem:$0x1F9E0] =	vst v63  }
0xce: {  	s30 =	simm.s32 $0x4000;
	s19 =	smov.u32 s10;
	_ =	swait.ge [sflag:s21], $0x80  }
0xcf: {  	s6 =	sshra.s32 s18, $0x2;
	s7 =	rddreg [dreg:$0x5];
	[sflag:s21] =	ssyncset.done $0x0  }
0xd0: {  	s10 =	sadd.s32 s6, s24;
	[sflag:s21] =	ssyncadd.s32 $0xFFFFFF80  }
0xd1: {  	[tilespmem:s29], [sflag:$0x1] =	stream.indirect.gather [hbm4b:s8+s28], $0x10, s10, s28, $0xb8;
	[tilespmem:$0x1F9E0] =	vst v63  }
0xd2: {  	s7 =	sadd.s32 s6, s7  }
0xd3: {  	[tilespmem:s30], [sflag:$0x5] =	stream.indirect.gather [spmem:s4], $0x1, s7, s28, $0xb8;
	[tilespmem:$0x1F9E0] =	vst v63  }
0xd4: {  	s24 =	sadd.s32 $0x80, s10  }
0xd5: {  	[tilespmem:s0], [sflag:$0x2] =	stream.indirect.gather [hbm4b:s8+s28], $0x10, s24, s28, $0xb8;
	[tilespmem:$0x1F9E0] =	vst v63  }
0xd6: {  	s26 =	simm.s32 $0x4080;
	s18 =	sadd.s32 $0x80, s7  }
0xd7: {  	[tilespmem:s26], [sflag:$0x6] =	stream.indirect.gather [spmem:s4], $0x1, s18, s28, $0xb8;
	[tilespmem:$0x1F9E0] =	vst v63  }
0xd8: {  	s2 =	simm.s32 $0x3000;
	s19 =	sadd.s32 $0x100, s10  }
0xd9: {  	[tilespmem:s2], [sflag:$0x3] =	stream.indirect.gather [hbm4b:s8+s28], $0x10, s19, s28, $0xb8;
	[tilespmem:$0x1F9E0] =	vst v63  }
0xda: {  	s23 =	simm.s32 $0x4100;
	s20 =	sadd.s32 $0x100, s7  }
0xdb: {  	[tilespmem:s23], [sflag:$0x7] =	stream.indirect.gather [spmem:s4], $0x1, s20, s28, $0xb8;
	[tilespmem:$0x1F9E0] =	vst v63  }
0xdc: {  	s5 =	simm.s32 $0x3800;
	s22 =	sadd.s32 $0x180, s10  }
0xdd: {  	[tilespmem:s5], [sflag:$0x4] =	stream.indirect.gather [hbm4b:s8+s28], $0x10, s22, s28, $0xb8;
	[tilespmem:$0x1F9E0] =	vst v63  }
0xde: {  	s9 =	simm.s32 $0x4180;
	s25 =	sadd.s32 $0x180, s7  }
0xdf: {  	[tilespmem:s9], [sflag:$0x8] =	stream.indirect.gather [spmem:s4], $0x1, s25, s28, $0xb8;
	[tilespmem:$0x1F9E0] =	vst v63  }
0xe0: {  	_ =	swait.ge [sflag:s11], $0x800  }
0xe1: {  	[sflag:s11] =	ssyncset.done $0x0  }
0xe2: {  	[sflag:s11] =	ssyncadd.s32 $0xFFFFF800  }
0xe3: {  	[spmem:s1] =	stream.indirect.scatter.add.f32 [tilespmem:s29], [sflag:$0xB], $0x10, s7, s28, $0xb8;
	[tilespmem:$0x1F9E0] =	vst v63  }
0xe4: {  	_ =	swait.ge [sflag:s21], $0x800  }
0xe5: {  	[sflag:s21] =	ssyncset.done $0x0  }
0xe6: {  	[sflag:s21] =	ssyncadd.s32 $0xFFFFF800  }
0xe7: {  	_ =	swait.ge [sflag:s31], $0x80  }
0xe8: {  	[sflag:s31] =	ssyncset.done $0x0  }
0xe9: {  	[sflag:s31] =	ssyncadd.s32 $0xFFFFFF80  }
0xea: {  	[spmem:s3] =	stream.indirect.scatter.add.f32 [tilespmem:s30], [sflag:$0xB], $0x1, s10, s28, $0xb8;
	[tilespmem:$0x1F9E0] =	vst v63  }
0xeb: {  	_ =	swait.ge [sflag:s21], $0x80  }
0xec: {  	[sflag:s21] =	ssyncset.done $0x0  }
0xed: {  	[sflag:s21] =	ssyncadd.s32 $0xFFFFFF80  }
0xee: {  	_ =	swait.ge [sflag:s12], $0x800  }
0xef: {  	[sflag:s12] =	ssyncset.done $0x0  }
0xf0: {  	[sflag:s12] =	ssyncadd.s32 $0xFFFFF800  }
0xf1: {  	[spmem:s1] =	stream.indirect.scatter.add.f32 [tilespmem:s0], [sflag:$0xB], $0x10, s18, s28, $0xb8;
	[tilespmem:$0x1F9E0] =	vst v63  }
0xf2: {  	_ =	swait.ge [sflag:s21], $0x800  }
0xf3: {  	[sflag:s21] =	ssyncset.done $0x0  }
0xf4: {  	[sflag:s21] =	ssyncadd.s32 $0xFFFFF800  }
0xf5: {  	_ =	swait.ge [sflag:s13], $0x80  }
0xf6: {  	[sflag:s13] =	ssyncset.done $0x0  }
0xf7: {  	[sflag:s13] =	ssyncadd.s32 $0xFFFFFF80  }
0xf8: {  	[spmem:s3] =	stream.indirect.scatter.add.f32 [tilespmem:s26], [sflag:$0xB], $0x1, s24, s28, $0xb8;
	[tilespmem:$0x1F9E0] =	vst v63  }
0xf9: {  	_ =	swait.ge [sflag:s21], $0x80  }
0xfa: {  	[sflag:s21] =	ssyncset.done $0x0  }
0xfb: {  	[sflag:s21] =	ssyncadd.s32 $0xFFFFFF80  }
0xfc: {  	_ =	swait.ge [sflag:s14], $0x800  }
0xfd: {  	[sflag:s14] =	ssyncset.done $0x0  }
0xfe: {  	[sflag:s14] =	ssyncadd.s32 $0xFFFFF800  }
0xff: {  	[spmem:s1] =	stream.indirect.scatter.add.f32 [tilespmem:s2], [sflag:$0xB], $0x10, s20, s28, $0xb8;
	[tilespmem:$0x1F9E0] =	vst v63  }
0x100: {  	_ =	swait.ge [sflag:s21], $0x800  }
0x101: {  	[sflag:s21] =	ssyncset.done $0x0  }
0x102: {  	[sflag:s21] =	ssyncadd.s32 $0xFFFFF800  }
0x103: {  	_ =	swait.ge [sflag:s15], $0x80  }
0x104: {  	[sflag:s15] =	ssyncset.done $0x0  }
0x105: {  	[sflag:s15] =	ssyncadd.s32 $0xFFFFFF80  }
0x106: {  	[spmem:s3] =	stream.indirect.scatter.add.f32 [tilespmem:s23], [sflag:$0xB], $0x1, s19, s28, $0xb8;
	[tilespmem:$0x1F9E0] =	vst v63  }
0x107: {  	_ =	swait.ge [sflag:s21], $0x80  }
0x108: {  	[sflag:s21] =	ssyncset.done $0x0  }
0x109: {  	[sflag:s21] =	ssyncadd.s32 $0xFFFFFF80  }
0x10a: {  	_ =	swait.ge [sflag:s16], $0x800  }
0x10b: {  	[sflag:s16] =	ssyncset.done $0x0  }
0x10c: {  	[sflag:s16] =	ssyncadd.s32 $0xFFFFF800  }
0x10d: {  	[spmem:s1] =	stream.indirect.scatter.add.f32 [tilespmem:s5], [sflag:$0xB], $0x10, s25, s28, $0xb8;
	[tilespmem:$0x1F9E0] =	vst v63  }
0x10e: {  	_ =	swait.ge [sflag:s21], $0x800  }
0x10f: {  	[sflag:s21] =	ssyncset.done $0x0  }
0x110: {  	[sflag:s21] =	ssyncadd.s32 $0xFFFFF800  }
0x111: {  	_ =	swait.ge [sflag:s17], $0x80  }
0x112: {  	[sflag:s17] =	ssyncset.done $0x0  }
0x113: {  	[sflag:s17] =	ssyncadd.s32 $0xFFFFFF80  }
0x114: {  	[spmem:s3] =	stream.indirect.scatter.add.f32 [tilespmem:s9], [sflag:$0xB], $0x1, s22, s28, $0xb8;
	[tilespmem:$0x1F9E0] =	vst v63  }
0x115: {  	_ =	swait.ge [sflag:s21], $0x80  }
0x116: {  	s26 =	rddreg [dreg:$0x17]  }
0x117: {  	s2 =	sadd.s32 $0x1, s26  }
0x118: {  	p1 =	sne.s32 s2, $0x19  }
.Ltmp1:
0x119: {  	_ = 	snop;
	(pc) =	sbr.rel @p1 .LBB2_2-.Ltmp1, $3  }
0x11a: {  	_ =	sdelay $0x1  }
0x11b: {  	[sflag:s21] =	ssyncset.done $0x0  }
0x11c: {  	p0 =	por !p0, !p0;
	s11 =	simm.s32 $0x1;
	[sflag:s21] =	ssyncadd.s32 $0xFFFFFF80  }
0x11d: {  	[bflag:$0x0] =	sbarrier.arrive $0xFFFF  }
0x11e: {  	s10 =	rddreg [dreg:$0x9]  }
0x11f: {  	s6 =	rddreg [dreg:$0xf]  }
0x120: {  	s7 =	rddreg [dreg:$0x13]  }
0x121: {  	[hbm:s6], [sflag:s10] =	dma.local [spmem:s7], $0x30E0  }
0x122: {  	_ =	swait.ge [sflag:s21], $0x30E0  }
0x123: {  	[sflag:s21] =	ssyncset.done $0x0;
	s24 =	rddreg [dreg:$0x10]  }
0x124: {  	s2 =	rddreg [dreg:$0x16];
	[sflag:s21] =	ssyncadd.s32 $0xFFFFCF20  }
0x125: {  	[hbm:s24], [sflag:s10] =	dma.local [spmem:s2], $0x30E  }
0x126: {  	_ =	swait.ge [sflag:s21], $0x30E  }
0x127: {  	s25 =	rddreg [dreg:$0x15]  }
0x128: {  	s26 =	rddreg [dreg:$0x11];
	s2 =	sadd.s32 $0x1, s25  }
0x129: {  	p0 =	sne.s32 s2, s26  }
.Ltmp2:
0x12a: {  	_ = 	snop;
	(pc) =	sbr.rel @p0 .LBB2_1-.Ltmp2, $3  }
0x12b: {  	_ =	sdelay $0x1  }
0x12c: {  	[sflag:s21] =	ssyncset.done $0x0  }
0x12d: {  	[sflag:s21] =	ssyncadd.s32 $0xFFFFFCF2  }
0x12e: {  	_ =	sfence.sel $0x180000  }
0x12f: {  	[bflag:$0x0] =	sbarrier.arrive $0xFFFF  }
0x130: {  	_ =	strace $0x9000004A  }
0x131: {  	s0 =	stileid.u32;
	[bflag:$0x2] =	sbarrier.arrive $0xFFFF  }
0x132: {  	p0 =	sne.s32 s0, $0x0;
	s0 =	rddreg [dreg:$0x4]  }
0x133: {  	s0 =	sadd.s32 @!p0 $0x100000, s0  }
0x134: {  	[sflag:s0] =	ssyncadd.tile.s32 @!p0 $0x1;
	_ =	shalt  }
.Lfunc_end2:
_tile_overlayer_lowered:
.L_overlay_start_2:
0x135: {  	(tag) =	ssettag $0x2  }
0x136: {  	s0 =	rddreg [dreg:$0x0];
	s2 =	stileid.u32  }
0x137: {  	s1 =	rddreg [dreg:$0x1];
	p0 =	sne.s32 s2, $0x0  }
0x138: {  	s3 =	rddreg [dreg:$0x2];
	[bflag:$0x3] =	sbarrier.arrive $0xFFFF;
	s2 =	simm.s32 @!p0 $0x1C0B  }
0x139: {  	[timem:s3], [sflag:s2] =	dma.local @!p0 [hbm:s0], s1  }
0x13a: {  	s0 =	simm.s32 @!p0 $0xB  }
0x13b: {  	_ =	swait.ge @!p0 [sflag:s0], s1  }
0x13c: {  	s1 =	ssub.s32 @!p0 $0x0, s1;
	[sflag:s0] =	ssyncset.done @!p0 $0x0  }
0x13d: {  	[sflag:s0] =	ssyncadd.s32 @!p0 s1  }
0x13e: {  	[bflag:$0x3] =	sbarrier.arrive $0xFFFF  }
0x13f: {  	_ =	shalt  }

// kernel: kernel.7.cloned.1.call-start
scs
__scs_entry_jumppad:
0x0: {  	(pc) =	sbr.rel $0x88, $3  }
0x1: {  	(tag) =	ssettag $0x0;
	lr =	simm.s32 $0x1  }
0x2: {  	[smem:$0x3F9B] =	sst lr;
	_ =	strace $0xD0000000  }
0x3: {  	_ = 	snop  }
0x4: {  	_ = 	snop  }
0x5: {  	_ = 	snop  }
0x6: {  	_ = 	snop  }
0x7: {  	_ = 	snop  }
__scs_overlays_trampoline_lowered:
0x8: {  	[smem:$0x3FAA] =	sst s0  }
0x9: {  	[smem:$0x3FAB] =	sst s1  }
0xa: {  	[smem:$0x3FAC] =	sst s2  }
0xb: {  	[smem:$0x3FAD] =	sst s3  }
0xc: {  	[smem:$0x3FAE] =	sst s4  }
0xd: {  	[smem:$0x3FAF] =	sst s5  }
0xe: {  	[smem:$0x3FB0] =	sst s6  }
0xf: {  	[smem:$0x3FB1] =	sst s7  }
0x10: {  	[smem:$0x3FB2] =	sst s8  }
0x11: {  	[smem:$0x3FB3] =	sst s9;
	s0 =	simm.s32 @!p0 $0x0  }
0x12: {  	s1 =	sld [smem:$0x3F99];
	s0 =	simm.s32 @p0 $0x1  }
0x13: {  	[smem:$0x3FB4] =	sst s0;
	s0 =	simm.s32 @!p1 $0x0  }
0x14: {  	s2 =	sld [smem:$0x3F98];
	s0 =	simm.s32 @p1 $0x1  }
0x15: {  	[smem:$0x3FB5] =	sst s0;
	s0 =	simm.s32 @!p2 $0x0  }
0x16: {  	s3 =	sld [smem:$0x3FDB];
	s0 =	simm.s32 @p2 $0x1  }
0x17: {  	s4 =	simm.s32 $0x1BF5;
	[smem:$0x3FB7] =	sst s0  }
0x18: {  	s0 =	sld [smem:$0x3F9A];
	_ =	swait.ge [sflag:s4], $0x0  }
0x19: {  	s7 =	sld [smem:$0x3F9B]  }
0x1a: {  	s8 =	sadd.s32 $0xFFFFE003, lr  }
0x1b: {  	s9 =	sadd.s32 $0xFFFFFEF7, lr;
	s5 =	simm.s32 $0xFFFFFFFF;
	p2 =	slt.u32 s8, $0xFFFFF086  }
0x1c: {  	p1 =	slt.u32 s9, $0xF7A;
	s5 =	simm.s32 @!p2 $0x0  }
0x1d: {  	s5 =	simm.s32 @p1 $0x1;
	p0 =	seq.s32 s7, s2  }
0x1e: {  	s7 =	smul.u32 @!p0 $0xF7A, s2;
	p2 =	seq.s32 @!p0 s5, $0x0  }
0x1f: {  	s9 =	smul.u32 $0xF7A, s1;
	s8 =	simm.s32 @!p0 $0x1BF5;
	p2 =	por !p2, p0  }
0x20: {  	[sflag:s8] =	ssyncset.s32 @!p0 $0xFFFFF086;
	s6 =	sadd.s32 @!p0 s3, s7;
	s7 =	simm.s32 @!p0 $0x108  }
0x21: {  	s3 =	sadd.s32 s3, s9;
	s6 =	sadd.s32 @!p0 $0x88, s6;
	s7 =	simm.s32 @p2 $0x1082  }
0x22: {  	[simem:s7], [sflag:s8] =	dma.local @!p0 [hbm:s6], $0xF7A  }
0x23: {  	s9 =	sor.u32 $0xD0000000, s2;
	s6 =	simm.s32 $0x108;
	_ =	swait.ge @!p0 [sflag:s8], $0x0  }
0x24: {  	s3 =	sadd.s32 $0x88, s3;
	s6 =	simm.s32 @!p1 $0x1082;
	[sflag:s4] =	ssyncset.s32 $0xFFFFF086  }
0x25: {  	[simem:s6], [sflag:s4] =	dma.local [hbm:s3], $0xF7A  }
0x26: {  	[smem:$0x3F9B] =	sst s1;
	(tag) =	ssettag s2;
	_ =	strace s9  }
0x27: {  	s1 =	sld [smem:$0x3FAB]  }
0x28: {  	s2 =	sld [smem:$0x3FAC]  }
0x29: {  	s4 =	sld [smem:$0x3FAE]  }
0x2a: {  	p0 =	seq.s32 s5, $0x0;
	s5 =	sld [smem:$0x3FAF]  }
0x2b: {  	s6 =	sld [smem:$0x3FB0]  }
0x2c: {  	s7 =	sld [smem:$0x3FB1]  }
0x2d: {  	s3 =	simm.s32 $0x108;
	s8 =	sld [smem:$0x3FB2]  }
0x2e: {  	s3 =	simm.s32 @!p0 $0x1082;
	s9 =	sld [smem:$0x3FB3]  }
0x2f: {  	lr =	sadd.s32 s0, s3;
	s0 =	sld [smem:$0x3FAA]  }
0x30: {  	s3 =	sld [smem:$0x3FAD]  }
0x31: {  	[smem:$0x3FB6] =	sst s10  }
0x32: {  	s10 =	sld [smem:$0x3FB4];
	_ =	sdelay $0x3  }
0x33: {  	p0 =	seq.s32 s10, $0x1;
	s10 =	sld [smem:$0x3FB6];
	_ =	sdelay $0x3  }
0x34: {  	[smem:$0x3FB6] =	sst s10  }
0x35: {  	s10 =	sld [smem:$0x3FB5];
	_ =	sdelay $0x3  }
0x36: {  	p1 =	seq.s32 s10, $0x1;
	s10 =	sld [smem:$0x3FB6];
	_ =	sdelay $0x3  }
0x37: {  	[smem:$0x3FB6] =	sst s10  }
0x38: {  	s10 =	sld [smem:$0x3FB7]  }
0x39: {  	_ = 	snop;
	(pc) =	sbr.ind lr, $3  }
0x3a: {  	_ = 	snop  }
0x3b: {  	_ = 	snop  }
0x3c: {  	p2 =	seq.s32 s10, $0x1;
	s10 =	sld [smem:$0x3FB6]  }
0x3d: {  	_ =	shalt  }
0x3e: {  	_ =	shalt  }
0x3f: {  	_ =	shalt  }
0x40: {  	_ =	shalt  }
0x41: {  	_ =	shalt  }
0x42: {  	_ =	shalt  }
0x43: {  	_ =	shalt  }
0x44: {  	_ =	shalt  }
0x45: {  	_ =	shalt  }
0x46: {  	_ =	shalt  }
0x47: {  	_ =	shalt  }
0x48: {  	_ =	shalt  }
0x49: {  	_ =	shalt  }
0x4a: {  	_ =	shalt  }
0x4b: {  	_ =	shalt  }
0x4c: {  	_ =	shalt  }
0x4d: {  	_ =	shalt  }
0x4e: {  	_ =	shalt  }
0x4f: {  	_ =	shalt  }
0x50: {  	_ =	shalt  }
0x51: {  	_ =	shalt  }
0x52: {  	_ =	shalt  }
0x53: {  	_ =	shalt  }
0x54: {  	_ =	shalt  }
0x55: {  	_ =	shalt  }
0x56: {  	_ =	shalt  }
0x57: {  	_ =	shalt  }
0x58: {  	_ =	shalt  }
0x59: {  	_ =	shalt  }
0x5a: {  	_ =	shalt  }
0x5b: {  	_ =	shalt  }
0x5c: {  	_ =	shalt  }
0x5d: {  	_ =	shalt  }
0x5e: {  	_ =	shalt  }
0x5f: {  	_ =	shalt  }
0x60: {  	_ =	shalt  }
0x61: {  	_ =	shalt  }
0x62: {  	_ =	shalt  }
0x63: {  	_ =	shalt  }
0x64: {  	_ =	shalt  }
0x65: {  	_ =	shalt  }
0x66: {  	_ =	shalt  }
0x67: {  	_ =	shalt  }
0x68: {  	_ =	shalt  }
0x69: {  	_ =	shalt  }
0x6a: {  	_ =	shalt  }
0x6b: {  	_ =	shalt  }
0x6c: {  	_ =	shalt  }
0x6d: {  	_ =	shalt  }
0x6e: {  	_ =	shalt  }
0x6f: {  	_ =	shalt  }
0x70: {  	_ =	shalt  }
0x71: {  	_ =	shalt  }
0x72: {  	_ =	shalt  }
0x73: {  	_ =	shalt  }
0x74: {  	_ =	shalt  }
0x75: {  	_ =	shalt  }
0x76: {  	_ =	shalt  }
0x77: {  	_ =	shalt  }
0x78: {  	_ =	shalt  }
0x79: {  	_ =	shalt  }
0x7a: {  	_ =	shalt  }
0x7b: {  	_ =	shalt  }
0x7c: {  	_ =	shalt  }
0x7d: {  	_ =	shalt  }
0x7e: {  	_ =	shalt  }
0x7f: {  	_ =	shalt  }
0x80: {  	_ =	shalt  }
0x81: {  	_ =	shalt  }
0x82: {  	_ =	shalt  }
0x83: {  	_ =	shalt  }
0x84: {  	_ =	shalt  }
0x85: {  	_ =	shalt  }
0x86: {  	_ =	shalt  }
0x87: {  	_ =	shalt  }
.Lfunc_end0:
.L_simem_size_0:
called_computation_lowered:
.L_overlay_start_0:
0x88: {  	s2 =	sld [smem:$0x3FD9]  }
0x89: {  	s3 =	sld [smem:$0x3FFE];
	_ =	sdelay $0x1  }
0x8a: {  	s1 =	srdreg.scid  }
0x8b: {  	s0 =	sand.u32 $0x1, s1  }
0x8c: {  	s17 =	sshll.u32 s0, $0xA;
	s2 =	sadd.s32 s3, s2  }
0x8d: {  	s2 =	sadd.s32 s2, s17  }
0x8e: {  	[smem:$0x3FC2] =	sst s2  }
0x8f: {  	_ = 	snop  }
0x90: {  	s2 =	sld [smem:$0x3FD0];
	(tm) =	ssettm $0x1  }
0x91: {  	s18 =	sld [smem:$0x3FFB];
	_ =	sdelay $0x3  }
0x92: {  	_ =	strace s18  }
0x93: {  	s3 =	sld [smem:$0x3FFC];
	_ =	sdelay $0x3  }
0x94: {  	_ =	strace s3  }
0x95: {  	s3 =	sld [smem:$0x3FFD];
	_ =	sdelay $0x3  }
0x96: {  	_ =	strace s3  }
0x97: {  	_ =	strace $0x8FFFFFFF  }
0x98: {  	s19 =	sld [smem:$0x3FDB];
	_ =	sdelay $0x1  }
0x99: {  	s4 =	simm.s32 $_scs_section_size  }
0x9a: {  	s5 =	simm.s32 $_size__tile_overlayer_lowered;
	s6 =	simm.s32 $_tile_overlayer_lowered  }
0x9b: {  	s22 =	simm.s32 $0x1BFF;
	s21 =	sshll.u32 s6, $0x1;
	s3 =	sadd.s32 s4, s19  }
0x9c: {  	s7 =	simm.s32 $0x0;
	s20 =	sshll.u32 s5, $0x1;
	s5 =	sadd.s32 s21, s3  }
0x9d: {  	[timem:s7], [sflag:s22] =	dma.local [hbm:s5], s20  }
0x9e: {  	_ =	swait.ge [sflag:s22], s20  }
0x9f: {  	s4 =	ssub.s32 $0x0, s20;
	[sflag:s22] =	ssyncset.done $0x0  }
0xa0: {  	[sflag:s22] =	ssyncadd.s32 s4;
	_ =	sdelay $0x1  }
0xa1: {  	s23 =	simm.s32 $0x1B8B  }
0xa2: {  	_ =	swait.ge [sflag:s23], $0x1  }
0xa3: {  	[sflag:s23] =	ssyncset.done $0x0  }
0xa4: {  	s25 =	simm.s32 $0x1B8E;
	s24 =	sld [smem:$0x3FFE];
	[sflag:s23] =	ssyncadd.s32 $0xFFFFFFFF  }
0xa5: {  	s26 =	simm.s32 $execute0_lowered;
	[smem:$0x3FD2] =	sst s25  }
0xa6: {  	s5 =	sshll.u32 s26, $0x1;
	_ =	strace $0x80000046;
	[dreg:$0x1] =	wrdreg $0xFFFFFFFF  }
0xa7: {  	s28 =	simm.s32 $_size_execute0_lowered;
	s3 =	sadd.s32 s3, s5;
	[dreg:$0x0] =	wrdreg $0x0  }
0xa8: {  	s5 =	sshll.u32 s28, $0x1;
	[dreg:$0x2] =	wrdreg s3  }
0xa9: {  	[dreg:$0x3] =	wrdreg s5  }
0xaa: {  	[dreg:$0x4] =	wrdreg $0xC0  }
0xab: {  	_ =	task [dreg:s7], $0x5FFFF  }
0xac: {  	[dreg:$0x1] =	wrdreg $0xFFFFFFFF  }
0xad: {  	[dreg:$0x0] =	wrdreg $0x60  }
0xae: {  	[dreg:$0x2] =	wrdreg s24  }
0xaf: {  	[dreg:$0x3] =	wrdreg s2  }
0xb0: {  	[dreg:$0x4] =	wrdreg $0xC8800  }
0xb1: {  	[dreg:$0x5] =	wrdreg $0x9  }
0xb2: {  	_ =	task.clear_ibuf [dreg:s7], $0x6FFFF;
	_ =	strace $0x90000046  }
0xb3: {  	s29 =	simm.s32 $0x9;
	_ =	strace $0x80000048  }
0xb4: {  	_ =	swait.ge [sflag:s29], $0x1  }
0xb5: {  	[sflag:s29] =	ssyncadd.s32 $0xFFFFFFFF  }
0xb6: {  	_ =	strace $0x90000048  }
0xb7: {  	_ =	sfence  }
0xb8: {  	s30 =	sld [smem:$0x0];
	_ =	sdelay $0x2  }
0xb9: {  	s31 =	sshll.u32 s1, $0xD;
	s1 =	sshrl.u32 s1, $0x2  }
0xba: {  	s3 =	sand.u32 $0x4000, s31;
	s1 =	sadd.s32 s1, s30  }
0xbb: {  	s0 =	sor.u32 s3, s0;
	s1 =	sshll.u32 s1, $0x11  }
0xbc: {  	s0 =	sor.u32 s1, s0  }
0xbd: {  	s0 =	sadd.s32 $0x8F2B, s0  }
0xbe: {  	[sflag:s0] =	ssyncadd.remote.s32 $0x1  }
0xbf: {  	_ =	sfence.sel $0xFFFF  }
0xc0: {  	[dreg:$0x0] =	wrdreg $0xFFFFFFFF;
	(pc) =	sbr.abs _section_cstart, $3  }
0xc1: {  	[dreg:$0x1] =	wrdreg $0xFFFFFFFF  }
0xc2: {  	_ =	task.clear_ibuf [dreg:s7], $0x2FFFF;
	_ =	strace $0x9FFFFFFF  }
0xc3: {  	(tm) =	ssettm $0x7FFFFFFF  }
tec
execute0_lowered:
.L_overlay_start_1:
0x0: {  	(tag) =	ssettag $0x1  }
0x1: {  	s5 =	rddreg [dreg:$0x0]  }
0x2: {  	s1 =	srdreg.scid;
	s2 =	rddreg [dreg:$0x1]  }
0x3: {  	s0 =	stileid.u32;
	s3 =	rddreg [dreg:$0x2];
	s4 =	simm.s32 $0x0  }
0x4: {  	s13 =	simm.s32 $0x80;
	s14 =	simm.s32 $0x0;
	s6 =	sand.u32 $0x1, s1  }
0x5: {  	s30 =	sshll.u32 s0, $0x1;
	s8 =	smul.u32 $0x1870, s0;
	[smem:$0x7FF] =	sst s4  }
0x6: {  	s31 =	sshll.u32 s0, $0x6;
	s1 =	sor.u32 s6, s30;
	s9 =	smul.u32 $0x18700, s6  }
0x7: {  	s6 =	ssub.s32 $0x2, s6;
	s7 =	smul.u32 $0x1900, s1;
	s1 =	rddreg [dreg:$0x3]  }
0x8: {  	_ =	strace $0x80000047;
	s10 =	sshrl.u32 s8, $0x3;
	s11 =	sshrl.u32 s6, $0x1  }
0x9: {  	s12 =	sadd.s32 s8, s3;
	s9 =	sadd.s32 s8, s9;
	s10 =	sadd.s32 s10, s5  }
0xa: {  	s11 =	ssub.s32 s6, s11;
	s6 =	sor.u32 $0x1C01, s31;
	s9 =	sshrl.u32 s9, $0x3  }
0xb: {  	s7 =	sadd.s32 s7, s5;
	s9 =	sadd.s32 s9, s5;
	s5 =	sadd.s32 $0x64C00, s10  }
0xc: {  	s7 =	sadd.s32 $0xC00, s7;
	s10 =	sshrl.u32 s12, $0x3;
	s12 =	simm.s32 $0xC800  }
0xd: {  	s8 =	sadd.s32 $0x67E00, s9;
	s9 =	smax.u32 s11, $0x1;
	s11 =	simm.s32 $0x1  }
.LBB2_1:
0xe: {  	[spmem:s10], [sflag:s6] =	dma.local [hbm:s5], $0x30E  }
0xf: {  	_ =	swait.ge [sflag:s11], $0x30E  }
0x10: {  	[sflag:s11] =	ssyncset.done $0x0  }
0x11: {  	[sflag:s11] =	ssyncadd.s32 $0xFFFFFCF2  }
0x12: {  	[tilespmem:s12], [sflag:$0x1] =	stream.linear.gather [hbm4b:s2+s4], $0x80, $0x38;
	[tilespmem:$0xE0F0] =	vst v63  }
0x13: {  	_ =	swait.ge [sflag:s11], $0x80  }
0x14: {  	[sflag:s11] =	ssyncset.done $0x0  }
0x15: {  	[sflag:s11] =	ssyncadd.s32 $0xFFFFFF80  }
0x16: {  	[tilespmem:s4], [sflag:$0x1] =	stream.linear.gather [hbm4b:s7+s4], $0xC800, $0x38;
	[tilespmem:$0xE0F0] =	vst v63  }
0x17: {  	_ =	swait.ge [sflag:s11], $0xC800  }
0x18: {  	[sflag:s11] =	ssyncset.done $0x0  }
0x19: {  	[sflag:s11] =	ssyncadd.s32 $0xFFFF3800  }
0x1a: {  	s15 =	simm.s32 $0x0;
	[bflag:$0x0] =	sbarrier.arrive $0xFFFF  }
0x1b: {  	[spmem:s3] =	stream.indirect.scatter.add.f32 [tilespmem:s12], [sflag:$0x1], $0x1, s15, s13, $0xb8;
	[tilespmem:$0xE0F0] =	vst v63  }
0x1c: {  	_ =	swait.ge [sflag:s11], $0x80  }
0x1d: {  	s15 =	simm.s32 $0x200;
	[sflag:s11] =	ssyncset.done $0x0  }
.LBB2_2:
0x1e: {  	s16 =	sshra.s32 s15, $0x2;
	[sflag:s11] =	ssyncadd.s32 $0xFFFFFF80;
	p0 =	sne.s32 s15, $0x31E00  }
0x1f: {  	[spmem:s3] =	stream.indirect.scatter.add.f32 [tilespmem:s12], [sflag:$0x1], $0x1, s16, s13, $0xb8;
	[tilespmem:$0xE0F0] =	vst v63  }
.Ltmp0:
0x20: {  	_ = 	snop;
	(pc) =	sbr.rel @p0 .LBB2_2-.Ltmp0, $4  }
0x21: {  	_ = 	snop  }
0x22: {  	s15 =	sadd.s32 $0x200, s15  }
0x23: {  	_ =	swait.ge [sflag:s11], $0x80  }
0x24: {  	[sflag:s11] =	ssyncset.done $0x0  }
0x25: {  	s14 =	sadd.s32 $0x1, s14  }
0x26: {  	[sflag:s11] =	ssyncadd.s32 $0xFFFFFF80;
	p0 =	sne.s32 s14, s9  }
.Ltmp1:
0x27: {  	[bflag:$0x0] =	sbarrier.arrive $0xFFFF;
	(pc) =	sbr.rel @p0 .LBB2_1-.Ltmp1, $4  }
0x28: {  	[hbm:s8], [sflag:s6] =	dma.local [spmem:s10], $0x30E  }
0x29: {  	_ =	swait.ge [sflag:s11], $0x30E  }
0x2a: {  	[sflag:s11] =	ssyncset.done $0x0  }
0x2b: {  	[sflag:s11] =	ssyncadd.s32 $0xFFFFFCF2  }
0x2c: {  	_ =	sfence.sel $0x180000  }
0x2d: {  	[bflag:$0x0] =	sbarrier.arrive $0xFFFF  }
0x2e: {  	p0 =	sne.s32 s0, $0x0;
	_ =	strace $0x90000047  }
0x2f: {  	s0 =	sadd.s32 @!p0 $0x100000, s1;
	[bflag:$0x2] =	sbarrier.arrive $0xFFFF  }
0x30: {  	[sflag:s0] =	ssyncadd.tile.s32 @!p0 $0x1;
	_ =	shalt  }
.Lfunc_end2:
_tile_overlayer_lowered:
.L_overlay_start_2:
0x31: {  	(tag) =	ssettag $0x2  }
0x32: {  	s0 =	rddreg [dreg:$0x0];
	s2 =	stileid.u32  }
0x33: {  	s1 =	rddreg [dreg:$0x1];
	p0 =	sne.s32 s2, $0x0  }
0x34: {  	s3 =	rddreg [dreg:$0x2];
	[bflag:$0x3] =	sbarrier.arrive $0xFFFF;
	s2 =	simm.s32 @!p0 $0x1C01  }
0x35: {  	[timem:s3], [sflag:s2] =	dma.local @!p0 [hbm:s0], s1  }
0x36: {  	s0 =	simm.s32 @!p0 $0x1  }
0x37: {  	_ =	swait.ge @!p0 [sflag:s0], s1  }
0x38: {  	s1 =	ssub.s32 @!p0 $0x0, s1;
	[sflag:s0] =	ssyncset.done @!p0 $0x0  }
0x39: {  	[sflag:s0] =	ssyncadd.s32 @!p0 s1  }
0x3a: {  	[bflag:$0x3] =	sbarrier.arrive $0xFFFF  }
0x3b: {  	_ =	shalt  }

</sc_bundles>
